<compile_context>
chip_gen: v7x
topology: tpu7x:2x2x1
jax: 0.10.2.dev20260603
libtpu: 0.0.44.dev20260713+nightly
codegen_flags: <defaults>
</compile_context>

<pallas_src>
import functools

import jax
import jax.numpy as jnp
from jax import lax
from jax.experimental import pallas as pl
from jax.experimental.pallas import tpu as pltpu
from jax.experimental.pallas import tpu_sc as plsc

_EMB_DIM = 16
_NE = 8192
_ROWS = 128 * 12 * 12
_RBLK = 1152
_CCHUNK = 4096
_NCHUNK = _NE // _CCHUNK


def _vq_argmin_kernel(lhs_ref, z2_ref, embT_ref, e2_ref, idx_ref):
    lhs = lhs_ref[...]
    z2 = z2_ref[...]
    nrow = lhs.shape[0]
    SUB = 256
    nsub = _CCHUNK // SUB
    iota = lax.broadcasted_iota(jnp.int32, (nrow, SUB), 1)
    big = jnp.int32(2**30)

    acc_v = jnp.full((nrow, 1), jnp.inf, jnp.float32)
    acc_i = jnp.zeros((nrow, 1), jnp.int32)
    for c in range(_NCHUNK):
        run_v = jnp.full((nrow, SUB), jnp.inf, jnp.float32)
        run_i = jnp.zeros((nrow, SUB), jnp.int32)
        for g in range(nsub):
            m = lax.dot_general(
                lhs, embT_ref[c, :, g * SUB:(g + 1) * SUB],
                (((1,), (0,)), ((), ())),
                preferred_element_type=jnp.float32)
            d = (z2 + e2_ref[c, :, g * SUB:(g + 1) * SUB]) - m
            j = iota + (c * _CCHUNK + g * SUB)
            upd = d < run_v
            run_v = jnp.where(upd, d, run_v)
            run_i = jnp.where(upd, j, run_i)
        tmin = jnp.min(run_v, axis=1, keepdims=True)
        cand = jnp.where(run_v == tmin, run_i, big)
        targ = jnp.min(cand, axis=1, keepdims=True)
        win = tmin < acc_v
        tmin_bf = tmin.astype(jnp.bfloat16).astype(jnp.float32)
        acc_v = jnp.where(win, tmin_bf, acc_v)
        acc_i = jnp.where(win, targ, acc_i)
    idx_ref[...] = acc_i


def _vq_argmin(lhs_bf, z2, embT3, e23):
    grid = (_ROWS // _RBLK,)
    return pl.pallas_call(
        _vq_argmin_kernel,
        grid=grid,
        in_specs=[
            pl.BlockSpec((_RBLK, _EMB_DIM), lambda i: (i, 0)),
            pl.BlockSpec((_RBLK, 1), lambda i: (i, 0)),
            pl.BlockSpec((_NCHUNK, _EMB_DIM, _CCHUNK), lambda i: (0, 0, 0)),
            pl.BlockSpec((_NCHUNK, 1, _CCHUNK), lambda i: (0, 0, 0)),
        ],
        out_specs=pl.BlockSpec((_RBLK, 1), lambda i: (i, 0)),
        out_shape=jax.ShapeDtypeStruct((_ROWS, 1), jnp.int32),
    )(lhs_bf, z2, embT3, e23)


def _make_sc_gather():
    info = plsc.get_sparse_core_info()
    nw = info.num_cores * info.num_subcores
    b_per_w = _ROWS // nw
    img_per_w = b_per_w // 144
    out_per_w = img_per_w * 16 * 144
    mesh = plsc.VectorSubcoreMesh(core_axis_name="c", subcore_axis_name="s")

    @functools.partial(
        pl.kernel, mesh=mesh,
        compiler_params=pltpu.CompilerParams(use_tc_tiling_on_sc=False,
                                             needs_layout_passes=False),
        out_type=jax.ShapeDtypeStruct((_ROWS * _EMB_DIM,), jnp.float32),
        scratch_types=[
            pltpu.VMEM((b_per_w,), jnp.int32),
            pltpu.VMEM((b_per_w, _EMB_DIM), jnp.float32),
            pltpu.VMEM((b_per_w, _EMB_DIM), jnp.float32),
            pltpu.VMEM((out_per_w,), jnp.float32),
            pltpu.SemaphoreType.DMA,
        ],
    )
    def gather(emb_hbm, idx_hbm, flat_hbm, out_hbm,
               idx_v, rows_v, flat_v, out_v, sem):
        wid = lax.axis_index("s") * info.num_cores + lax.axis_index("c")
        base = wid * b_per_w
        pltpu.sync_copy(idx_hbm.at[pl.ds(base, b_per_w)], idx_v)
        pltpu.sync_copy(flat_hbm.at[pl.ds(base, b_per_w)], flat_v)
        pltpu.async_copy(emb_hbm.at[idx_v], rows_v, sem).wait()
        lanes = lax.iota(jnp.int32, 16) * 144

        @plsc.parallel_loop(0, b_per_w, unroll=8)
        def body(i):
            f = flat_v[i, :]
            r = rows_v[i, :]
            st = f + (r - f)
            b_loc = i // 144
            p = i - b_loc * 144
            plsc.store_scatter(out_v, [lanes + (b_loc * 2304 + p)], st)
        pltpu.sync_copy(out_v, out_hbm.at[pl.ds(wid * out_per_w, out_per_w)])

    return gather


_sc_gather = None


def _conv(x, w, b, stride, pad):
    y = lax.conv_general_dilated(
        x, w, (stride, stride), [(pad, pad), (pad, pad)],
        dimension_numbers=('NCHW', 'OIHW', 'NCHW'))
    return y + b[None, :, None, None]


def kernel(obs, params):
    global _sc_gather
    x = jax.nn.relu(_conv(obs, params['W1'], params['b1'], 2, 1))
    x = jax.nn.relu(_conv(x, params['W2'], params['b2'], 2, 1))
    x = _conv(x, params['W3'], params['b3'], 1, 1)
    for r in params['res']:
        h = jax.nn.relu(x)
        h = _conv(h, r['Wa'], r['ba'], 1, 1)
        h = jax.nn.relu(h)
        h = _conv(h, r['Wb'], r['bb'], 1, 0)
        x = x + h
    x = jax.nn.relu(x)
    z = _conv(x, params['Wp'], params['bp'], 1, 0)
    zt = jnp.transpose(z, (0, 2, 3, 1))
    flat = zt.reshape(-1, _EMB_DIM)

    emb = params['emb']
    z2 = jnp.sum(flat ** 2, axis=1, keepdims=True)
    e2 = jnp.sum(emb ** 2, axis=1)
    lhs_bf = (2.0 * flat).astype(jnp.bfloat16)
    emb_bf = emb.astype(jnp.bfloat16)
    embT3 = emb_bf.T.reshape(_EMB_DIM, _NCHUNK, _CCHUNK).transpose(1, 0, 2)
    e23 = e2.reshape(_NCHUNK, 1, _CCHUNK)

    idx = _vq_argmin(lhs_bf, z2, embT3, e23)[:, 0]

    if _sc_gather is None:
        _sc_gather = _make_sc_gather()
    out = _sc_gather(emb, idx, flat)
    return out.reshape(obs.shape[0], -1)

# --- scband reference (transcript-rebuilt; emitter-appended) ---
"""Pipeline reference for scband-vqvae-20495583936978 (READ-ONLY COPY).

The authoritative reference and input builder live on the scoring server;
editing this copy changes nothing except your own understanding.
"""

import jax, jax.numpy as jnp
import numpy as np

B = 128
C = 3
IM = 48
EMB_DIM = 16
NH = 128
NRL = 3
NRH = 64
NE = 8192
ROOT = 12  # 48 -> 24 -> 12 after two stride-2 convs


def _init(key, shape, scale):
    return jax.random.normal(key, shape, dtype=jnp.float32) * scale


def conv(x, w, b, stride, pad):
    y = jax.lax.conv_general_dilated(
        x, w, (stride, stride), [(pad, pad), (pad, pad)],
        dimension_numbers=('NCHW', 'OIHW', 'NCHW'))
    return y + b[None, :, None, None]


def setup_inputs(seed: int = 0) -> dict:
    key = jax.random.key(seed)
    ks = jax.random.split(key, 16)
    obs = jax.random.uniform(ks[0], (B, C, IM, IM), dtype=jnp.float32)
    params = {}
    params['W1'] = _init(ks[1], (NH // 2, C, 4, 4), 0.05)
    params['b1'] = jnp.zeros((NH // 2,), dtype=jnp.float32)
    params['W2'] = _init(ks[2], (NH, NH // 2, 4, 4), 0.02)
    params['b2'] = jnp.zeros((NH,), dtype=jnp.float32)
    params['W3'] = _init(ks[3], (NH, NH, 3, 3), 0.02)
    params['b3'] = jnp.zeros((NH,), dtype=jnp.float32)
    res = []
    for i in range(NRL):
        res.append({
            'Wa': _init(ks[4 + 2 * i], (NRH, NH, 3, 3), 0.02),
            'ba': jnp.zeros((NRH,), dtype=jnp.float32),
            'Wb': _init(ks[5 + 2 * i], (NH, NRH, 1, 1), 0.05),
            'bb': jnp.zeros((NH,), dtype=jnp.float32),
        })
    params['res'] = res
    params['Wp'] = _init(ks[12], (EMB_DIM, NH, 1, 1), 0.05)
    params['bp'] = jnp.zeros((EMB_DIM,), dtype=jnp.float32)
    # VectorQuantizer embedding: uniform init in [-1/K, 1/K] like the torch version
    params['emb'] = jax.random.uniform(
        ks[13], (NE, EMB_DIM), dtype=jnp.float32,
        minval=-1.0 / NE, maxval=1.0 / NE)
    return {'obs': obs, 'params': params}


def _forward(obs, params):
    # Encoder
    x = jax.nn.relu(conv(obs, params['W1'], params['b1'], 2, 1))
    x = jax.nn.relu(conv(x, params['W2'], params['b2'], 2, 1))
    x = conv(x, params['W3'], params['b3'], 1, 1)
    for r in params['res']:
        h = jax.nn.relu(x)
        h = conv(h, r['Wa'], r['ba'], 1, 1)
        h = jax.nn.relu(h)
        h = conv(h, r['Wb'], r['bb'], 1, 0)
        x = x + h
    x = jax.nn.relu(x)
    # pre-VQ 1x1 conv -> (B, EMB_DIM, 12, 12)
    z = conv(x, params['Wp'], params['bp'], 1, 0)
    # VectorQuantizer: nearest codebook entry
    zt = jnp.transpose(z, (0, 2, 3, 1))  # NHWC
    flat = zt.reshape(-1, EMB_DIM)
    emb = params['emb']
    d = (jnp.sum(flat ** 2, axis=1, keepdims=True)
         + jnp.sum(emb ** 2, axis=1)[None, :]
         - 2.0 * flat @ emb.T)
    idx = jnp.argmin(d, axis=1)
    quant = jnp.take(emb, idx, axis=0).reshape(zt.shape)
    # straight-through estimator
    quant_st = zt + jax.lax.stop_gradient(quant - zt)
    q = jnp.transpose(quant_st, (0, 3, 1, 2))
    # encode() returns quantized latents flattened to representation_size
    return q.reshape(obs.shape[0], -1)


def reference(obs, params):
    return _forward(obs, params)

if __name__ == "__main__":
    import jax
    _d = setup_inputs()
    print(jax.jit(kernel)(*tuple(_d.values())))

</pallas_src>

<mosaic_0001>
#map = affine_map<(d0, d1) -> (0, 0)>
#map1 = affine_map<(d0, d1) -> (0)>
module attributes {stable_mosaic.version = 14 : i64} {
  func.func @gather(%arg0: i32, %arg1: i32, %arg2: memref<8192x16xf32, #tpu.memory_space<hbm>>, %arg3: memref<18432xi32, #tpu.memory_space<hbm>>, %arg4: memref<18432x16xf32, #tpu.memory_space<hbm>>, %arg5: memref<294912xf32, #tpu.memory_space<hbm>>, %arg6: memref<576xi32, #tpu.memory_space<vmem>>, %arg7: memref<576x16xf32, #tpu.memory_space<vmem>>, %arg8: memref<576x16xf32, #tpu.memory_space<vmem>>, %arg9: memref<9216xf32, #tpu.memory_space<vmem>>, %arg10: memref<!tpu.dma_semaphore, #tpu.memory_space<semaphore_mem>>) attributes {dimension_semantics = [#tpu.dimension_semantics<core_parallel>, #tpu.dimension_semantics<subcore_parallel>], iteration_bounds = array<i64: 2, 16>, scalar_prefetch = 0 : i64, scratch_operands = 5 : i64, tpu.core_type = #tpu.core_type<sc_vector_subcore>, window_params = [{transform_indices = #map}, {transform_indices = #map1}, {transform_indices = #map}, {transform_indices = #map1}]} {
    %mul3A = arith.constant 2 : i32
    %mul3A_0 = arith.muli %arg1, %mul3A : i32
    %add3A = arith.addi %mul3A_0, %arg0 : i32
    %mul3A_1 = arith.constant 576 : i32
    %mul3A_2 = arith.muli %add3A, %mul3A_1 : i32
    "tpu.region"() ({
      %run_scoped3A = tpu.sem_alloc : memref<!tpu.dma_semaphore, #tpu.memory_space<semaphore_mem>>
      %dma_start3A_14 = tpu.memref_slice %arg3[%mul3A_2] : memref<18432xi32, #tpu.memory_space<hbm>> -> memref<576xi32, #tpu.memory_space<hbm>>
      %dma_start3A_15 = tpu.memref_slice %arg3[%mul3A_2] : memref<18432xi32, #tpu.memory_space<hbm>> -> memref<576xi32, #tpu.memory_space<hbm>>
      tpu.enqueue_dma source(%dma_start3A_15 : memref<576xi32, #tpu.memory_space<hbm>>) target(%arg6 : memref<576xi32, #tpu.memory_space<vmem>>) target_semaphore(%run_scoped3A : memref<!tpu.dma_semaphore, #tpu.memory_space<semaphore_mem>>)
      %dma_wait3A_16 = tpu.memref_slice %arg3[%mul3A_2] : memref<18432xi32, #tpu.memory_space<hbm>> -> memref<576xi32, #tpu.memory_space<hbm>>
      %dma_wait3A_17 = tpu.memref_slice %arg3[%mul3A_2] : memref<18432xi32, #tpu.memory_space<hbm>> -> memref<576xi32, #tpu.memory_space<hbm>>
      tpu.wait_dma2 semaphore(%run_scoped3A : memref<!tpu.dma_semaphore, #tpu.memory_space<semaphore_mem>>) src(%dma_wait3A_17 : memref<576xi32, #tpu.memory_space<hbm>>) dst(%arg6 : memref<576xi32, #tpu.memory_space<vmem>>)
      tpu.yield
    }) : () -> ()
    "tpu.region"() ({
      %run_scoped3A = tpu.sem_alloc : memref<!tpu.dma_semaphore, #tpu.memory_space<semaphore_mem>>
      %dma_start3A_14 = arith.constant 0 : i32
      %dma_start3A_15 = tpu.memref_slice %arg4[%mul3A_2, %dma_start3A_14] : memref<18432x16xf32, #tpu.memory_space<hbm>> -> memref<576x16xf32, #tpu.memory_space<hbm>>
      %dma_start3A_16 = arith.constant 0 : i32
      %dma_start3A_17 = tpu.memref_slice %arg4[%mul3A_2, %dma_start3A_16] : memref<18432x16xf32, #tpu.memory_space<hbm>> -> memref<576x16xf32, #tpu.memory_space<hbm>>
      tpu.enqueue_dma source(%dma_start3A_17 : memref<576x16xf32, #tpu.memory_space<hbm>>) target(%arg8 : memref<576x16xf32, #tpu.memory_space<vmem>>) target_semaphore(%run_scoped3A : memref<!tpu.dma_semaphore, #tpu.memory_space<semaphore_mem>>)
      %dma_wait3A_18 = arith.constant 0 : i32
      %dma_wait3A_19 = tpu.memref_slice %arg4[%mul3A_2, %dma_wait3A_18] : memref<18432x16xf32, #tpu.memory_space<hbm>> -> memref<576x16xf32, #tpu.memory_space<hbm>>
      %dma_wait3A_20 = arith.constant 0 : i32
      %dma_wait3A_21 = tpu.memref_slice %arg4[%mul3A_2, %dma_wait3A_20] : memref<18432x16xf32, #tpu.memory_space<hbm>> -> memref<576x16xf32, #tpu.memory_space<hbm>>
      tpu.wait_dma2 semaphore(%run_scoped3A : memref<!tpu.dma_semaphore, #tpu.memory_space<semaphore_mem>>) src(%dma_wait3A_21 : memref<576x16xf32, #tpu.memory_space<hbm>>) dst(%arg8 : memref<576x16xf32, #tpu.memory_space<vmem>>)
      tpu.yield
    }) : () -> ()
    %dma_start3A = arith.constant 0 : i32
    %dma_start3A_3 = arith.constant 0 : i32
    %dma_start3A_4 = tpu.memref_slice %arg2[%dma_start3A, %dma_start3A_3] : memref<8192x16xf32, #tpu.memory_space<hbm>> -> memref<8192x16xf32, #tpu.memory_space<hbm>>
    tpu.enqueue_indirect_dma source(%dma_start3A_4 : memref<8192x16xf32, #tpu.memory_space<hbm>>) target(%arg7 : memref<576x16xf32, #tpu.memory_space<vmem>>) offsets(%arg6 : memref<576xi32, #tpu.memory_space<vmem>>) semaphore(%arg10 : memref<!tpu.dma_semaphore, #tpu.memory_space<semaphore_mem>>)
    %dma_wait3A = arith.constant 0 : i32
    %dma_wait3A_5 = arith.constant 0 : i32
    %dma_wait3A_6 = tpu.memref_slice %arg2[%dma_wait3A, %dma_wait3A_5] : memref<8192x16xf32, #tpu.memory_space<hbm>> -> memref<8192x16xf32, #tpu.memory_space<hbm>>
    tpu.wait_indirect_dma semaphore(%arg10 : memref<!tpu.dma_semaphore, #tpu.memory_space<semaphore_mem>>) src(%dma_wait3A_6 : memref<8192x16xf32, #tpu.memory_space<hbm>>) dst(%arg7 : memref<576x16xf32, #tpu.memory_space<vmem>>)
    %iota3A = tpu.iota {dimensions = array<i32: 0>} : vector<16xi32>
    %mul3A_7 = arith.constant 144 : i32
    %mul3A_8 = vector.broadcast %mul3A_7 : i32 to vector<16xi32>
    %mul3A_9 = arith.muli %iota3A, %mul3A_8 : vector<16xi32>
    %parallel_loop3A = arith.constant 0 : i32
    %parallel_loop3A_10 = arith.constant 576 : i32
    %parallel_loop3A_11 = arith.constant 1 : i32
    scf.for %parallel_loop3A_14 = %parallel_loop3A to %parallel_loop3A_10 step %parallel_loop3A_11  : i32 {
      %parallel_loop3A_15 = arith.index_cast %parallel_loop3A_14 : i32 to index
      %parallel_loop3A_16 = arith.constant 0 : index
      %parallel_loop3A_17 = tpu.vector_load %arg8[%parallel_loop3A_15, %parallel_loop3A_16] {strides = array<i32>} : memref<576x16xf32, #tpu.memory_space<vmem>>, vector<16xf32>,
      %parallel_loop3A_18 = arith.index_cast %parallel_loop3A_14 : i32 to index
      %parallel_loop3A_19 = arith.constant 0 : index
      %parallel_loop3A_20 = tpu.vector_load %arg7[%parallel_loop3A_18, %parallel_loop3A_19] {strides = array<i32>} : memref<576x16xf32, #tpu.memory_space<vmem>>, vector<16xf32>,
      %parallel_loop3A_21 = arith.subf %parallel_loop3A_20, %parallel_loop3A_17 : vector<16xf32>
      %parallel_loop3A_22 = arith.addf %parallel_loop3A_17, %parallel_loop3A_21 : vector<16xf32>
      %parallel_loop3A_23 = arith.constant 144 : i32
      %parallel_loop3A_24 = arith.divsi %parallel_loop3A_14, %parallel_loop3A_23 : i32
      %parallel_loop3A_25 = arith.constant 0 : i32
      %parallel_loop3A_26 = arith.cmpi sgt, %parallel_loop3A_14, %parallel_loop3A_25 : i32
      %parallel_loop3A_27 = arith.extui %parallel_loop3A_26 : i1 to i32
      %parallel_loop3A_28 = arith.constant 0 : i32
      %parallel_loop3A_29 = arith.cmpi slt, %parallel_loop3A_14, %parallel_loop3A_28 : i32
      %parallel_loop3A_30 = arith.extui %parallel_loop3A_29 : i1 to i32
      %parallel_loop3A_31 = arith.subi %parallel_loop3A_27, %parallel_loop3A_30 : i32
      %parallel_loop3A_32 = arith.constant 0 : i32
      %parallel_loop3A_33 = arith.cmpi sgt, %parallel_loop3A_23, %parallel_loop3A_32 : i32
      %parallel_loop3A_34 = arith.extui %parallel_loop3A_33 : i1 to i32
      %parallel_loop3A_35 = arith.constant 0 : i32
      %parallel_loop3A_36 = arith.cmpi slt, %parallel_loop3A_23, %parallel_loop3A_35 : i32
      %parallel_loop3A_37 = arith.extui %parallel_loop3A_36 : i1 to i32
      %parallel_loop3A_38 = arith.subi %parallel_loop3A_34, %parallel_loop3A_37 : i32
      %parallel_loop3A_39 = arith.cmpi ne, %parallel_loop3A_31, %parallel_loop3A_38 : i32
      %parallel_loop3A_40 = arith.remsi %parallel_loop3A_14, %parallel_loop3A_23 : i32
      %parallel_loop3A_41 = arith.constant 0 : i32
      %parallel_loop3A_42 = arith.cmpi ne, %parallel_loop3A_40, %parallel_loop3A_41 : i32
      %parallel_loop3A_43 = arith.andi %parallel_loop3A_39, %parallel_loop3A_42 : i1
      %parallel_loop3A_44 = arith.constant 1 : i32
      %parallel_loop3A_45 = arith.subi %parallel_loop3A_24, %parallel_loop3A_44 : i32
      %parallel_loop3A_46 = arith.select %parallel_loop3A_43, %parallel_loop3A_45, %parallel_loop3A_24 : i32
      %parallel_loop3A_47 = arith.constant 144 : i32
      %parallel_loop3A_48 = arith.muli %parallel_loop3A_46, %parallel_loop3A_47 : i32
      %parallel_loop3A_49 = arith.subi %parallel_loop3A_14, %parallel_loop3A_48 : i32
      %parallel_loop3A_50 = arith.constant 2304 : i32
      %parallel_loop3A_51 = arith.muli %parallel_loop3A_46, %parallel_loop3A_50 : i32
      %parallel_loop3A_52 = arith.addi %parallel_loop3A_51, %parallel_loop3A_49 : i32
      %parallel_loop3A_53 = vector.broadcast %parallel_loop3A_52 : i32 to vector<16xi32>
      %parallel_loop3A_54 = arith.addi %mul3A_9, %parallel_loop3A_53 : vector<16xi32>
      tpu.vector_store_idx %arg9[%parallel_loop3A_54], %parallel_loop3A_22 : memref<9216xf32, #tpu.memory_space<vmem>>[vector<16xi32>], vector<16xf32>,
    } {sc.loop_unroll_factor = 8 : i64, sc.parallel_access}
    %mul3A_12 = arith.constant 9216 : i32
    %mul3A_13 = arith.muli %add3A, %mul3A_12 : i32
    "tpu.region"() ({
      %run_scoped3A = tpu.sem_alloc : memref<!tpu.dma_semaphore, #tpu.memory_space<semaphore_mem>>
      %dma_start3A_14 = tpu.memref_slice %arg5[%mul3A_13] : memref<294912xf32, #tpu.memory_space<hbm>> -> memref<9216xf32, #tpu.memory_space<hbm>>
      %dma_start3A_15 = tpu.memref_slice %arg5[%mul3A_13] : memref<294912xf32, #tpu.memory_space<hbm>> -> memref<9216xf32, #tpu.memory_space<hbm>>
      tpu.enqueue_dma source(%arg9 : memref<9216xf32, #tpu.memory_space<vmem>>) target(%dma_start3A_15 : memref<9216xf32, #tpu.memory_space<hbm>>) target_semaphore(%run_scoped3A : memref<!tpu.dma_semaphore, #tpu.memory_space<semaphore_mem>>)
      %dma_wait3A_16 = tpu.memref_slice %arg5[%mul3A_13] : memref<294912xf32, #tpu.memory_space<hbm>> -> memref<9216xf32, #tpu.memory_space<hbm>>
      %dma_wait3A_17 = tpu.memref_slice %arg5[%mul3A_13] : memref<294912xf32, #tpu.memory_space<hbm>> -> memref<9216xf32, #tpu.memory_space<hbm>>
      tpu.wait_dma2 semaphore(%run_scoped3A : memref<!tpu.dma_semaphore, #tpu.memory_space<semaphore_mem>>) src(%arg9 : memref<9216xf32, #tpu.memory_space<vmem>>) dst(%dma_wait3A_17 : memref<9216xf32, #tpu.memory_space<hbm>>)
      tpu.yield
    }) : () -> ()
    return
  }
}

module attributes {stable_mosaic.version = 14 : i64} {
  func.func @_vq_argmin_kernel(%arg0: i32, %arg1: memref<1152x16xbf16, #tpu.memory_space<vmem>>, %arg2: memref<1152x1xf32, #tpu.memory_space<vmem>>, %arg3: memref<2x16x4096xbf16, #tpu.memory_space<vmem>>, %arg4: memref<2x1x4096xf32, #tpu.memory_space<vmem>>, %arg5: memref<1152x1xi32, #tpu.memory_space<vmem>>) attributes {dimension_semantics = [#tpu.dimension_semantics<arbitrary>], iteration_bounds = array<i64: 16>, scalar_prefetch = 0 : i64, scratch_operands = 0 : i64, tpu.core_type = #tpu.core_type<tc>, window_params = [{transform_indices = @transform_0, window_bounds = array<i64: 1152, 16>}, {transform_indices = @transform_1, window_bounds = array<i64: 1152, 1>}, {pipeline_mode = #tpu.pipeline_mode<synchronous>, transform_indices = @transform_2, window_bounds = array<i64: 2, 16, 4096>}, {pipeline_mode = #tpu.pipeline_mode<synchronous>, transform_indices = @transform_3, window_bounds = array<i64: 2, 1, 4096>}, {transform_indices = @transform_4, window_bounds = array<i64: 1152, 1>}]} {
    %get3A = arith.constant 0 : index
    %get3A_0 = arith.constant 0 : index
    %get3A_1 = vector.load %arg1[%get3A, %get3A_0] : memref<1152x16xbf16, #tpu.memory_space<vmem>>, vector<1152x16xbf16>
    %get3A_2 = arith.constant 0 : index
    %get3A_3 = arith.constant 0 : index
    %get3A_4 = vector.load %arg2[%get3A_2, %get3A_3] : memref<1152x1xf32, #tpu.memory_space<vmem>>, vector<1152x1xf32>
    %iota3A = tpu.iota {dimensions = array<i32: 1>} : vector<1152x256xi32>
    %broadcast_in_dim3A = arith.constant 0x7F800000 : f32
    %broadcast_in_dim3A_5 = vector.broadcast %broadcast_in_dim3A : f32 to vector<1152x1xf32>
    %broadcast_in_dim3A_6 = arith.constant 0 : i32
    %broadcast_in_dim3A_7 = vector.broadcast %broadcast_in_dim3A_6 : i32 to vector<1152x1xi32>
    %broadcast_in_dim3A_8 = arith.constant 0x7F800000 : f32
    %broadcast_in_dim3A_9 = vector.broadcast %broadcast_in_dim3A_8 : f32 to vector<1152x256xf32>
    %broadcast_in_dim3A_10 = arith.constant 0 : i32
    %broadcast_in_dim3A_11 = vector.broadcast %broadcast_in_dim3A_10 : i32 to vector<1152x256xi32>
    %get3A_12 = arith.constant 0 : index
    %get3A_13 = arith.constant 0 : index
    %get3A_14 = arith.constant 0 : index
    %get3A_15 = vector.load %arg3[%get3A_12, %get3A_13, %get3A_14] : memref<2x16x4096xbf16, #tpu.memory_space<vmem>>, vector<1x16x256xbf16>
    %get3A_16 = vector.shape_cast %get3A_15 : vector<1x16x256xbf16> to vector<16x256xbf16>
    %dot_general3A = arith.constant dense<0.000000e+00> : vector<1152x256xf32>
    %dot_general3A_17 = tpu.matmul %get3A_1, %get3A_16, %dot_general3A {dimension_numbers = #tpu.dot_dimension_numbers<[1], [0], [0], [1], [0, 0, 1, 1], [], []>, transpose_lhs_hint = false} : vector<1152x16xbf16>, vector<16x256xbf16>, vector<1152x256xf32> -> vector<1152x256xf32>
    %get3A_18 = arith.constant 0 : index
    %get3A_19 = arith.constant 0 : index
    %get3A_20 = arith.constant 0 : index
    %get3A_21 = vector.load %arg4[%get3A_18, %get3A_19, %get3A_20] : memref<2x1x4096xf32, #tpu.memory_space<vmem>>, vector<1x1x256xf32>
    %get3A_22 = vector.shape_cast %get3A_21 : vector<1x1x256xf32> to vector<1x256xf32>
    %add3A = vector.broadcast %get3A_4 : vector<1152x1xf32> to vector<1152x256xf32>
    %add3A_23 = vector.broadcast %get3A_22 : vector<1x256xf32> to vector<1152x256xf32>
    %add3A_24 = arith.addf %add3A, %add3A_23 : vector<1152x256xf32>
    %sub3A = arith.subf %add3A_24, %dot_general3A_17 : vector<1152x256xf32>
    %add3A_25 = arith.constant 0 : i32
    %add3A_26 = vector.broadcast %add3A_25 : i32 to vector<1152x256xi32>
    %add3A_27 = arith.addi %iota3A, %add3A_26 : vector<1152x256xi32>
    %lt3A = arith.cmpf olt, %sub3A, %broadcast_in_dim3A_9 : vector<1152x256xf32>
    %select_n3A = arith.select %lt3A, %sub3A, %broadcast_in_dim3A_9 : vector<1152x256xi1>, vector<1152x256xf32>
    %select_n3A_28 = arith.select %lt3A, %add3A_27, %broadcast_in_dim3A_11 : vector<1152x256xi1>, vector<1152x256xi32>
    %get3A_29 = arith.constant 0 : index
    %get3A_30 = arith.constant 0 : index
    %get3A_31 = arith.constant 256 : index
    %get3A_32 = vector.load %arg3[%get3A_29, %get3A_30, %get3A_31] : memref<2x16x4096xbf16, #tpu.memory_space<vmem>>, vector<1x16x256xbf16>
    %get3A_33 = vector.shape_cast %get3A_32 : vector<1x16x256xbf16> to vector<16x256xbf16>
    %dot_general3A_34 = arith.constant dense<0.000000e+00> : vector<1152x256xf32>
    %dot_general3A_35 = tpu.matmul %get3A_1, %get3A_33, %dot_general3A_34 {dimension_numbers = #tpu.dot_dimension_numbers<[1], [0], [0], [1], [0, 0, 1, 1], [], []>, transpose_lhs_hint = false} : vector<1152x16xbf16>, vector<16x256xbf16>, vector<1152x256xf32> -> vector<1152x256xf32>
    %get3A_36 = arith.constant 0 : index
    %get3A_37 = arith.constant 0 : index
    %get3A_38 = arith.constant 256 : index
    %get3A_39 = vector.load %arg4[%get3A_36, %get3A_37, %get3A_38] : memref<2x1x4096xf32, #tpu.memory_space<vmem>>, vector<1x1x256xf32>
    %get3A_40 = vector.shape_cast %get3A_39 : vector<1x1x256xf32> to vector<1x256xf32>
    %add3A_41 = vector.broadcast %get3A_4 : vector<1152x1xf32> to vector<1152x256xf32>
    %add3A_42 = vector.broadcast %get3A_40 : vector<1x256xf32> to vector<1152x256xf32>
    %add3A_43 = arith.addf %add3A_41, %add3A_42 : vector<1152x256xf32>
    %sub3A_44 = arith.subf %add3A_43, %dot_general3A_35 : vector<1152x256xf32>
    %add3A_45 = arith.constant 256 : i32
    %add3A_46 = vector.broadcast %add3A_45 : i32 to vector<1152x256xi32>
    %add3A_47 = arith.addi %iota3A, %add3A_46 : vector<1152x256xi32>
    %lt3A_48 = arith.cmpf olt, %sub3A_44, %select_n3A : vector<1152x256xf32>
    %select_n3A_49 = arith.select %lt3A_48, %sub3A_44, %select_n3A : vector<1152x256xi1>, vector<1152x256xf32>
    %select_n3A_50 = arith.select %lt3A_48, %add3A_47, %select_n3A_28 : vector<1152x256xi1>, vector<1152x256xi32>
    %get3A_51 = arith.constant 0 : index
    %get3A_52 = arith.constant 0 : index
    %get3A_53 = arith.constant 512 : index
    %get3A_54 = vector.load %arg3[%get3A_51, %get3A_52, %get3A_53] : memref<2x16x4096xbf16, #tpu.memory_space<vmem>>, vector<1x16x256xbf16>
    %get3A_55 = vector.shape_cast %get3A_54 : vector<1x16x256xbf16> to vector<16x256xbf16>
    %dot_general3A_56 = arith.constant dense<0.000000e+00> : vector<1152x256xf32>
    %dot_general3A_57 = tpu.matmul %get3A_1, %get3A_55, %dot_general3A_56 {dimension_numbers = #tpu.dot_dimension_numbers<[1], [0], [0], [1], [0, 0, 1, 1], [], []>, transpose_lhs_hint = false} : vector<1152x16xbf16>, vector<16x256xbf16>, vector<1152x256xf32> -> vector<1152x256xf32>
    %get3A_58 = arith.constant 0 : index
    %get3A_59 = arith.constant 0 : index
    %get3A_60 = arith.constant 512 : index
    %get3A_61 = vector.load %arg4[%get3A_58, %get3A_59, %get3A_60] : memref<2x1x4096xf32, #tpu.memory_space<vmem>>, vector<1x1x256xf32>
    %get3A_62 = vector.shape_cast %get3A_61 : vector<1x1x256xf32> to vector<1x256xf32>
    %add3A_63 = vector.broadcast %get3A_4 : vector<1152x1xf32> to vector<1152x256xf32>
    %add3A_64 = vector.broadcast %get3A_62 : vector<1x256xf32> to vector<1152x256xf32>
    %add3A_65 = arith.addf %add3A_63, %add3A_64 : vector<1152x256xf32>
    %sub3A_66 = arith.subf %add3A_65, %dot_general3A_57 : vector<1152x256xf32>
    %add3A_67 = arith.constant 512 : i32
    %add3A_68 = vector.broadcast %add3A_67 : i32 to vector<1152x256xi32>
    %add3A_69 = arith.addi %iota3A, %add3A_68 : vector<1152x256xi32>
    %lt3A_70 = arith.cmpf olt, %sub3A_66, %select_n3A_49 : vector<1152x256xf32>
    %select_n3A_71 = arith.select %lt3A_70, %sub3A_66, %select_n3A_49 : vector<1152x256xi1>, vector<1152x256xf32>
    %select_n3A_72 = arith.select %lt3A_70, %add3A_69, %select_n3A_50 : vector<1152x256xi1>, vector<1152x256xi32>
    %get3A_73 = arith.constant 0 : index
    %get3A_74 = arith.constant 0 : index
    %get3A_75 = arith.constant 768 : index
    %get3A_76 = vector.load %arg3[%get3A_73, %get3A_74, %get3A_75] : memref<2x16x4096xbf16, #tpu.memory_space<vmem>>, vector<1x16x256xbf16>
    %get3A_77 = vector.shape_cast %get3A_76 : vector<1x16x256xbf16> to vector<16x256xbf16>
    %dot_general3A_78 = arith.constant dense<0.000000e+00> : vector<1152x256xf32>
    %dot_general3A_79 = tpu.matmul %get3A_1, %get3A_77, %dot_general3A_78 {dimension_numbers = #tpu.dot_dimension_numbers<[1], [0], [0], [1], [0, 0, 1, 1], [], []>, transpose_lhs_hint = false} : vector<1152x16xbf16>, vector<16x256xbf16>, vector<1152x256xf32> -> vector<1152x256xf32>
    %get3A_80 = arith.constant 0 : index
    %get3A_81 = arith.constant 0 : index
    %get3A_82 = arith.constant 768 : index
    %get3A_83 = vector.load %arg4[%get3A_80, %get3A_81, %get3A_82] : memref<2x1x4096xf32, #tpu.memory_space<vmem>>, vector<1x1x256xf32>
    %get3A_84 = vector.shape_cast %get3A_83 : vector<1x1x256xf32> to vector<1x256xf32>
    %add3A_85 = vector.broadcast %get3A_4 : vector<1152x1xf32> to vector<1152x256xf32>
    %add3A_86 = vector.broadcast %get3A_84 : vector<1x256xf32> to vector<1152x256xf32>
    %add3A_87 = arith.addf %add3A_85, %add3A_86 : vector<1152x256xf32>
    %sub3A_88 = arith.subf %add3A_87, %dot_general3A_79 : vector<1152x256xf32>
    %add3A_89 = arith.constant 768 : i32
    %add3A_90 = vector.broadcast %add3A_89 : i32 to vector<1152x256xi32>
    %add3A_91 = arith.addi %iota3A, %add3A_90 : vector<1152x256xi32>
    %lt3A_92 = arith.cmpf olt, %sub3A_88, %select_n3A_71 : vector<1152x256xf32>
    %select_n3A_93 = arith.select %lt3A_92, %sub3A_88, %select_n3A_71 : vector<1152x256xi1>, vector<1152x256xf32>
    %select_n3A_94 = arith.select %lt3A_92, %add3A_91, %select_n3A_72 : vector<1152x256xi1>, vector<1152x256xi32>
    %get3A_95 = arith.constant 0 : index
    %get3A_96 = arith.constant 0 : index
    %get3A_97 = arith.constant 1024 : index
    %get3A_98 = vector.load %arg3[%get3A_95, %get3A_96, %get3A_97] : memref<2x16x4096xbf16, #tpu.memory_space<vmem>>, vector<1x16x256xbf16>
    %get3A_99 = vector.shape_cast %get3A_98 : vector<1x16x256xbf16> to vector<16x256xbf16>
    %dot_general3A_100 = arith.constant dense<0.000000e+00> : vector<1152x256xf32>
    %dot_general3A_101 = tpu.matmul %get3A_1, %get3A_99, %dot_general3A_100 {dimension_numbers = #tpu.dot_dimension_numbers<[1], [0], [0], [1], [0, 0, 1, 1], [], []>, transpose_lhs_hint = false} : vector<1152x16xbf16>, vector<16x256xbf16>, vector<1152x256xf32> -> vector<1152x256xf32>
    %get3A_102 = arith.constant 0 : index
    %get3A_103 = arith.constant 0 : index
    %get3A_104 = arith.constant 1024 : index
    %get3A_105 = vector.load %arg4[%get3A_102, %get3A_103, %get3A_104] : memref<2x1x4096xf32, #tpu.memory_space<vmem>>, vector<1x1x256xf32>
    %get3A_106 = vector.shape_cast %get3A_105 : vector<1x1x256xf32> to vector<1x256xf32>
    %add3A_107 = vector.broadcast %get3A_4 : vector<1152x1xf32> to vector<1152x256xf32>
    %add3A_108 = vector.broadcast %get3A_106 : vector<1x256xf32> to vector<1152x256xf32>
    %add3A_109 = arith.addf %add3A_107, %add3A_108 : vector<1152x256xf32>
    %sub3A_110 = arith.subf %add3A_109, %dot_general3A_101 : vector<1152x256xf32>
    %add3A_111 = arith.constant 1024 : i32
    %add3A_112 = vector.broadcast %add3A_111 : i32 to vector<1152x256xi32>
    %add3A_113 = arith.addi %iota3A, %add3A_112 : vector<1152x256xi32>
    %lt3A_114 = arith.cmpf olt, %sub3A_110, %select_n3A_93 : vector<1152x256xf32>
    %select_n3A_115 = arith.select %lt3A_114, %sub3A_110, %select_n3A_93 : vector<1152x256xi1>, vector<1152x256xf32>
    %select_n3A_116 = arith.select %lt3A_114, %add3A_113, %select_n3A_94 : vector<1152x256xi1>, vector<1152x256xi32>
    %get3A_117 = arith.constant 0 : index
    %get3A_118 = arith.constant 0 : index
    %get3A_119 = arith.constant 1280 : index
    %get3A_120 = vector.load %arg3[%get3A_117, %get3A_118, %get3A_119] : memref<2x16x4096xbf16, #tpu.memory_space<vmem>>, vector<1x16x256xbf16>
    %get3A_121 = vector.shape_cast %get3A_120 : vector<1x16x256xbf16> to vector<16x256xbf16>
    %dot_general3A_122 = arith.constant dense<0.000000e+00> : vector<1152x256xf32>
    %dot_general3A_123 = tpu.matmul %get3A_1, %get3A_121, %dot_general3A_122 {dimension_numbers = #tpu.dot_dimension_numbers<[1], [0], [0], [1], [0, 0, 1, 1], [], []>, transpose_lhs_hint = false} : vector<1152x16xbf16>, vector<16x256xbf16>, vector<1152x256xf32> -> vector<1152x256xf32>
    %get3A_124 = arith.constant 0 : index
    %get3A_125 = arith.constant 0 : index
    %get3A_126 = arith.constant 1280 : index
    %get3A_127 = vector.load %arg4[%get3A_124, %get3A_125, %get3A_126] : memref<2x1x4096xf32, #tpu.memory_space<vmem>>, vector<1x1x256xf32>
    %get3A_128 = vector.shape_cast %get3A_127 : vector<1x1x256xf32> to vector<1x256xf32>
    %add3A_129 = vector.broadcast %get3A_4 : vector<1152x1xf32> to vector<1152x256xf32>
    %add3A_130 = vector.broadcast %get3A_128 : vector<1x256xf32> to vector<1152x256xf32>
    %add3A_131 = arith.addf %add3A_129, %add3A_130 : vector<1152x256xf32>
    %sub3A_132 = arith.subf %add3A_131, %dot_general3A_123 : vector<1152x256xf32>
    %add3A_133 = arith.constant 1280 : i32
    %add3A_134 = vector.broadcast %add3A_133 : i32 to vector<1152x256xi32>
    %add3A_135 = arith.addi %iota3A, %add3A_134 : vector<1152x256xi32>
    %lt3A_136 = arith.cmpf olt, %sub3A_132, %select_n3A_115 : vector<1152x256xf32>
    %select_n3A_137 = arith.select %lt3A_136, %sub3A_132, %select_n3A_115 : vector<1152x256xi1>, vector<1152x256xf32>
    %select_n3A_138 = arith.select %lt3A_136, %add3A_135, %select_n3A_116 : vector<1152x256xi1>, vector<1152x256xi32>
    %get3A_139 = arith.constant 0 : index
    %get3A_140 = arith.constant 0 : index
    %get3A_141 = arith.constant 1536 : index
    %get3A_142 = vector.load %arg3[%get3A_139, %get3A_140, %get3A_141] : memref<2x16x4096xbf16, #tpu.memory_space<vmem>>, vector<1x16x256xbf16>
    %get3A_143 = vector.shape_cast %get3A_142 : vector<1x16x256xbf16> to vector<16x256xbf16>
    %dot_general3A_144 = arith.constant dense<0.000000e+00> : vector<1152x256xf32>
    %dot_general3A_145 = tpu.matmul %get3A_1, %get3A_143, %dot_general3A_144 {dimension_numbers = #tpu.dot_dimension_numbers<[1], [0], [0], [1], [0, 0, 1, 1], [], []>, transpose_lhs_hint = false} : vector<1152x16xbf16>, vector<16x256xbf16>, vector<1152x256xf32> -> vector<1152x256xf32>
    %get3A_146 = arith.constant 0 : index
    %get3A_147 = arith.constant 0 : index
    %get3A_148 = arith.constant 1536 : index
    %get3A_149 = vector.load %arg4[%get3A_146, %get3A_147, %get3A_148] : memref<2x1x4096xf32, #tpu.memory_space<vmem>>, vector<1x1x256xf32>
    %get3A_150 = vector.shape_cast %get3A_149 : vector<1x1x256xf32> to vector<1x256xf32>
    %add3A_151 = vector.broadcast %get3A_4 : vector<1152x1xf32> to vector<1152x256xf32>
    %add3A_152 = vector.broadcast %get3A_150 : vector<1x256xf32> to vector<1152x256xf32>
    %add3A_153 = arith.addf %add3A_151, %add3A_152 : vector<1152x256xf32>
    %sub3A_154 = arith.subf %add3A_153, %dot_general3A_145 : vector<1152x256xf32>
    %add3A_155 = arith.constant 1536 : i32
    %add3A_156 = vector.broadcast %add3A_155 : i32 to vector<1152x256xi32>
    %add3A_157 = arith.addi %iota3A, %add3A_156 : vector<1152x256xi32>
    %lt3A_158 = arith.cmpf olt, %sub3A_154, %select_n3A_137 : vector<1152x256xf32>
    %select_n3A_159 = arith.select %lt3A_158, %sub3A_154, %select_n3A_137 : vector<1152x256xi1>, vector<1152x256xf32>
    %select_n3A_160 = arith.select %lt3A_158, %add3A_157, %select_n3A_138 : vector<1152x256xi1>, vector<1152x256xi32>
    %get3A_161 = arith.constant 0 : index
    %get3A_162 = arith.constant 0 : index
    %get3A_163 = arith.constant 1792 : index
    %get3A_164 = vector.load %arg3[%get3A_161, %get3A_162, %get3A_163] : memref<2x16x4096xbf16, #tpu.memory_space<vmem>>, vector<1x16x256xbf16>
    %get3A_165 = vector.shape_cast %get3A_164 : vector<1x16x256xbf16> to vector<16x256xbf16>
    %dot_general3A_166 = arith.constant dense<0.000000e+00> : vector<1152x256xf32>
    %dot_general3A_167 = tpu.matmul %get3A_1, %get3A_165, %dot_general3A_166 {dimension_numbers = #tpu.dot_dimension_numbers<[1], [0], [0], [1], [0, 0, 1, 1], [], []>, transpose_lhs_hint = false} : vector<1152x16xbf16>, vector<16x256xbf16>, vector<1152x256xf32> -> vector<1152x256xf32>
    %get3A_168 = arith.constant 0 : index
    %get3A_169 = arith.constant 0 : index
    %get3A_170 = arith.constant 1792 : index
    %get3A_171 = vector.load %arg4[%get3A_168, %get3A_169, %get3A_170] : memref<2x1x4096xf32, #tpu.memory_space<vmem>>, vector<1x1x256xf32>
    %get3A_172 = vector.shape_cast %get3A_171 : vector<1x1x256xf32> to vector<1x256xf32>
    %add3A_173 = vector.broadcast %get3A_4 : vector<1152x1xf32> to vector<1152x256xf32>
    %add3A_174 = vector.broadcast %get3A_172 : vector<1x256xf32> to vector<1152x256xf32>
    %add3A_175 = arith.addf %add3A_173, %add3A_174 : vector<1152x256xf32>
    %sub3A_176 = arith.subf %add3A_175, %dot_general3A_167 : vector<1152x256xf32>
    %add3A_177 = arith.constant 1792 : i32
    %add3A_178 = vector.broadcast %add3A_177 : i32 to vector<1152x256xi32>
    %add3A_179 = arith.addi %iota3A, %add3A_178 : vector<1152x256xi32>
    %lt3A_180 = arith.cmpf olt, %sub3A_176, %select_n3A_159 : vector<1152x256xf32>
    %select_n3A_181 = arith.select %lt3A_180, %sub3A_176, %select_n3A_159 : vector<1152x256xi1>, vector<1152x256xf32>
    %select_n3A_182 = arith.select %lt3A_180, %add3A_179, %select_n3A_160 : vector<1152x256xi1>, vector<1152x256xi32>
    %get3A_183 = arith.constant 0 : index
    %get3A_184 = arith.constant 0 : index
    %get3A_185 = arith.constant 2048 : index
    %get3A_186 = vector.load %arg3[%get3A_183, %get3A_184, %get3A_185] : memref<2x16x4096xbf16, #tpu.memory_space<vmem>>, vector<1x16x256xbf16>
    %get3A_187 = vector.shape_cast %get3A_186 : vector<1x16x256xbf16> to vector<16x256xbf16>
    %dot_general3A_188 = arith.constant dense<0.000000e+00> : vector<1152x256xf32>
    %dot_general3A_189 = tpu.matmul %get3A_1, %get3A_187, %dot_general3A_188 {dimension_numbers = #tpu.dot_dimension_numbers<[1], [0], [0], [1], [0, 0, 1, 1], [], []>, transpose_lhs_hint = false} : vector<1152x16xbf16>, vector<16x256xbf16>, vector<1152x256xf32> -> vector<1152x256xf32>
    %get3A_190 = arith.constant 0 : index
    %get3A_191 = arith.constant 0 : index
    %get3A_192 = arith.constant 2048 : index
    %get3A_193 = vector.load %arg4[%get3A_190, %get3A_191, %get3A_192] : memref<2x1x4096xf32, #tpu.memory_space<vmem>>, vector<1x1x256xf32>
    %get3A_194 = vector.shape_cast %get3A_193 : vector<1x1x256xf32> to vector<1x256xf32>
    %add3A_195 = vector.broadcast %get3A_4 : vector<1152x1xf32> to vector<1152x256xf32>
    %add3A_196 = vector.broadcast %get3A_194 : vector<1x256xf32> to vector<1152x256xf32>
    %add3A_197 = arith.addf %add3A_195, %add3A_196 : vector<1152x256xf32>
    %sub3A_198 = arith.subf %add3A_197, %dot_general3A_189 : vector<1152x256xf32>
    %add3A_199 = arith.constant 2048 : i32
    %add3A_200 = vector.broadcast %add3A_199 : i32 to vector<1152x256xi32>
    %add3A_201 = arith.addi %iota3A, %add3A_200 : vector<1152x256xi32>
    %lt3A_202 = arith.cmpf olt, %sub3A_198, %select_n3A_181 : vector<1152x256xf32>
    %select_n3A_203 = arith.select %lt3A_202, %sub3A_198, %select_n3A_181 : vector<1152x256xi1>, vector<1152x256xf32>
    %select_n3A_204 = arith.select %lt3A_202, %add3A_201, %select_n3A_182 : vector<1152x256xi1>, vector<1152x256xi32>
    %get3A_205 = arith.constant 0 : index
    %get3A_206 = arith.constant 0 : index
    %get3A_207 = arith.constant 2304 : index
    %get3A_208 = vector.load %arg3[%get3A_205, %get3A_206, %get3A_207] : memref<2x16x4096xbf16, #tpu.memory_space<vmem>>, vector<1x16x256xbf16>
    %get3A_209 = vector.shape_cast %get3A_208 : vector<1x16x256xbf16> to vector<16x256xbf16>
    %dot_general3A_210 = arith.constant dense<0.000000e+00> : vector<1152x256xf32>
    %dot_general3A_211 = tpu.matmul %get3A_1, %get3A_209, %dot_general3A_210 {dimension_numbers = #tpu.dot_dimension_numbers<[1], [0], [0], [1], [0, 0, 1, 1], [], []>, transpose_lhs_hint = false} : vector<1152x16xbf16>, vector<16x256xbf16>, vector<1152x256xf32> -> vector<1152x256xf32>
    %get3A_212 = arith.constant 0 : index
    %get3A_213 = arith.constant 0 : index
    %get3A_214 = arith.constant 2304 : index
    %get3A_215 = vector.load %arg4[%get3A_212, %get3A_213, %get3A_214] : memref<2x1x4096xf32, #tpu.memory_space<vmem>>, vector<1x1x256xf32>
    %get3A_216 = vector.shape_cast %get3A_215 : vector<1x1x256xf32> to vector<1x256xf32>
    %add3A_217 = vector.broadcast %get3A_4 : vector<1152x1xf32> to vector<1152x256xf32>
    %add3A_218 = vector.broadcast %get3A_216 : vector<1x256xf32> to vector<1152x256xf32>
    %add3A_219 = arith.addf %add3A_217, %add3A_218 : vector<1152x256xf32>
    %sub3A_220 = arith.subf %add3A_219, %dot_general3A_211 : vector<1152x256xf32>
    %add3A_221 = arith.constant 2304 : i32
    %add3A_222 = vector.broadcast %add3A_221 : i32 to vector<1152x256xi32>
    %add3A_223 = arith.addi %iota3A, %add3A_222 : vector<1152x256xi32>
    %lt3A_224 = arith.cmpf olt, %sub3A_220, %select_n3A_203 : vector<1152x256xf32>
    %select_n3A_225 = arith.select %lt3A_224, %sub3A_220, %select_n3A_203 : vector<1152x256xi1>, vector<1152x256xf32>
    %select_n3A_226 = arith.select %lt3A_224, %add3A_223, %select_n3A_204 : vector<1152x256xi1>, vector<1152x256xi32>
    %get3A_227 = arith.constant 0 : index
    %get3A_228 = arith.constant 0 : index
    %get3A_229 = arith.constant 2560 : index
    %get3A_230 = vector.load %arg3[%get3A_227, %get3A_228, %get3A_229] : memref<2x16x4096xbf16, #tpu.memory_space<vmem>>, vector<1x16x256xbf16>
    %get3A_231 = vector.shape_cast %get3A_230 : vector<1x16x256xbf16> to vector<16x256xbf16>
    %dot_general3A_232 = arith.constant dense<0.000000e+00> : vector<1152x256xf32>
    %dot_general3A_233 = tpu.matmul %get3A_1, %get3A_231, %dot_general3A_232 {dimension_numbers = #tpu.dot_dimension_numbers<[1], [0], [0], [1], [0, 0, 1, 1], [], []>, transpose_lhs_hint = false} : vector<1152x16xbf16>, vector<16x256xbf16>, vector<1152x256xf32> -> vector<1152x256xf32>
    %get3A_234 = arith.constant 0 : index
    %get3A_235 = arith.constant 0 : index
    %get3A_236 = arith.constant 2560 : index
    %get3A_237 = vector.load %arg4[%get3A_234, %get3A_235, %get3A_236] : memref<2x1x4096xf32, #tpu.memory_space<vmem>>, vector<1x1x256xf32>
    %get3A_238 = vector.shape_cast %get3A_237 : vector<1x1x256xf32> to vector<1x256xf32>
    %add3A_239 = vector.broadcast %get3A_4 : vector<1152x1xf32> to vector<1152x256xf32>
    %add3A_240 = vector.broadcast %get3A_238 : vector<1x256xf32> to vector<1152x256xf32>
    %add3A_241 = arith.addf %add3A_239, %add3A_240 : vector<1152x256xf32>
    %sub3A_242 = arith.subf %add3A_241, %dot_general3A_233 : vector<1152x256xf32>
    %add3A_243 = arith.constant 2560 : i32
    %add3A_244 = vector.broadcast %add3A_243 : i32 to vector<1152x256xi32>
    %add3A_245 = arith.addi %iota3A, %add3A_244 : vector<1152x256xi32>
    %lt3A_246 = arith.cmpf olt, %sub3A_242, %select_n3A_225 : vector<1152x256xf32>
    %select_n3A_247 = arith.select %lt3A_246, %sub3A_242, %select_n3A_225 : vector<1152x256xi1>, vector<1152x256xf32>
    %select_n3A_248 = arith.select %lt3A_246, %add3A_245, %select_n3A_226 : vector<1152x256xi1>, vector<1152x256xi32>
    %get3A_249 = arith.constant 0 : index
    %get3A_250 = arith.constant 0 : index
    %get3A_251 = arith.constant 2816 : index
    %get3A_252 = vector.load %arg3[%get3A_249, %get3A_250, %get3A_251] : memref<2x16x4096xbf16, #tpu.memory_space<vmem>>, vector<1x16x256xbf16>
    %get3A_253 = vector.shape_cast %get3A_252 : vector<1x16x256xbf16> to vector<16x256xbf16>
    %dot_general3A_254 = arith.constant dense<0.000000e+00> : vector<1152x256xf32>
    %dot_general3A_255 = tpu.matmul %get3A_1, %get3A_253, %dot_general3A_254 {dimension_numbers = #tpu.dot_dimension_numbers<[1], [0], [0], [1], [0, 0, 1, 1], [], []>, transpose_lhs_hint = false} : vector<1152x16xbf16>, vector<16x256xbf16>, vector<1152x256xf32> -> vector<1152x256xf32>
    %get3A_256 = arith.constant 0 : index
    %get3A_257 = arith.constant 0 : index
    %get3A_258 = arith.constant 2816 : index
    %get3A_259 = vector.load %arg4[%get3A_256, %get3A_257, %get3A_258] : memref<2x1x4096xf32, #tpu.memory_space<vmem>>, vector<1x1x256xf32>
    %get3A_260 = vector.shape_cast %get3A_259 : vector<1x1x256xf32> to vector<1x256xf32>
    %add3A_261 = vector.broadcast %get3A_4 : vector<1152x1xf32> to vector<1152x256xf32>
    %add3A_262 = vector.broadcast %get3A_260 : vector<1x256xf32> to vector<1152x256xf32>
    %add3A_263 = arith.addf %add3A_261, %add3A_262 : vector<1152x256xf32>
    %sub3A_264 = arith.subf %add3A_263, %dot_general3A_255 : vector<1152x256xf32>
    %add3A_265 = arith.constant 2816 : i32
    %add3A_266 = vector.broadcast %add3A_265 : i32 to vector<1152x256xi32>
    %add3A_267 = arith.addi %iota3A, %add3A_266 : vector<1152x256xi32>
    %lt3A_268 = arith.cmpf olt, %sub3A_264, %select_n3A_247 : vector<1152x256xf32>
    %select_n3A_269 = arith.select %lt3A_268, %sub3A_264, %select_n3A_247 : vector<1152x256xi1>, vector<1152x256xf32>
    %select_n3A_270 = arith.select %lt3A_268, %add3A_267, %select_n3A_248 : vector<1152x256xi1>, vector<1152x256xi32>
    %get3A_271 = arith.constant 0 : index
    %get3A_272 = arith.constant 0 : index
    %get3A_273 = arith.constant 3072 : index
    %get3A_274 = vector.load %arg3[%get3A_271, %get3A_272, %get3A_273] : memref<2x16x4096xbf16, #tpu.memory_space<vmem>>, vector<1x16x256xbf16>
    %get3A_275 = vector.shape_cast %get3A_274 : vector<1x16x256xbf16> to vector<16x256xbf16>
    %dot_general3A_276 = arith.constant dense<0.000000e+00> : vector<1152x256xf32>
    %dot_general3A_277 = tpu.matmul %get3A_1, %get3A_275, %dot_general3A_276 {dimension_numbers = #tpu.dot_dimension_numbers<[1], [0], [0], [1], [0, 0, 1, 1], [], []>, transpose_lhs_hint = false} : vector<1152x16xbf16>, vector<16x256xbf16>, vector<1152x256xf32> -> vector<1152x256xf32>
    %get3A_278 = arith.constant 0 : index
    %get3A_279 = arith.constant 0 : index
    %get3A_280 = arith.constant 3072 : index
    %get3A_281 = vector.load %arg4[%get3A_278, %get3A_279, %get3A_280] : memref<2x1x4096xf32, #tpu.memory_space<vmem>>, vector<1x1x256xf32>
    %get3A_282 = vector.shape_cast %get3A_281 : vector<1x1x256xf32> to vector<1x256xf32>
    %add3A_283 = vector.broadcast %get3A_4 : vector<1152x1xf32> to vector<1152x256xf32>
    %add3A_284 = vector.broadcast %get3A_282 : vector<1x256xf32> to vector<1152x256xf32>
    %add3A_285 = arith.addf %add3A_283, %add3A_284 : vector<1152x256xf32>
    %sub3A_286 = arith.subf %add3A_285, %dot_general3A_277 : vector<1152x256xf32>
    %add3A_287 = arith.constant 3072 : i32
    %add3A_288 = vector.broadcast %add3A_287 : i32 to vector<1152x256xi32>
    %add3A_289 = arith.addi %iota3A, %add3A_288 : vector<1152x256xi32>
    %lt3A_290 = arith.cmpf olt, %sub3A_286, %select_n3A_269 : vector<1152x256xf32>
    %select_n3A_291 = arith.select %lt3A_290, %sub3A_286, %select_n3A_269 : vector<1152x256xi1>, vector<1152x256xf32>
    %select_n3A_292 = arith.select %lt3A_290, %add3A_289, %select_n3A_270 : vector<1152x256xi1>, vector<1152x256xi32>
    %get3A_293 = arith.constant 0 : index
    %get3A_294 = arith.constant 0 : index
    %get3A_295 = arith.constant 3328 : index
    %get3A_296 = vector.load %arg3[%get3A_293, %get3A_294, %get3A_295] : memref<2x16x4096xbf16, #tpu.memory_space<vmem>>, vector<1x16x256xbf16>
    %get3A_297 = vector.shape_cast %get3A_296 : vector<1x16x256xbf16> to vector<16x256xbf16>
    %dot_general3A_298 = arith.constant dense<0.000000e+00> : vector<1152x256xf32>
    %dot_general3A_299 = tpu.matmul %get3A_1, %get3A_297, %dot_general3A_298 {dimension_numbers = #tpu.dot_dimension_numbers<[1], [0], [0], [1], [0, 0, 1, 1], [], []>, transpose_lhs_hint = false} : vector<1152x16xbf16>, vector<16x256xbf16>, vector<1152x256xf32> -> vector<1152x256xf32>
    %get3A_300 = arith.constant 0 : index
    %get3A_301 = arith.constant 0 : index
    %get3A_302 = arith.constant 3328 : index
    %get3A_303 = vector.load %arg4[%get3A_300, %get3A_301, %get3A_302] : memref<2x1x4096xf32, #tpu.memory_space<vmem>>, vector<1x1x256xf32>
    %get3A_304 = vector.shape_cast %get3A_303 : vector<1x1x256xf32> to vector<1x256xf32>
    %add3A_305 = vector.broadcast %get3A_4 : vector<1152x1xf32> to vector<1152x256xf32>
    %add3A_306 = vector.broadcast %get3A_304 : vector<1x256xf32> to vector<1152x256xf32>
    %add3A_307 = arith.addf %add3A_305, %add3A_306 : vector<1152x256xf32>
    %sub3A_308 = arith.subf %add3A_307, %dot_general3A_299 : vector<1152x256xf32>
    %add3A_309 = arith.constant 3328 : i32
    %add3A_310 = vector.broadcast %add3A_309 : i32 to vector<1152x256xi32>
    %add3A_311 = arith.addi %iota3A, %add3A_310 : vector<1152x256xi32>
    %lt3A_312 = arith.cmpf olt, %sub3A_308, %select_n3A_291 : vector<1152x256xf32>
    %select_n3A_313 = arith.select %lt3A_312, %sub3A_308, %select_n3A_291 : vector<1152x256xi1>, vector<1152x256xf32>
    %select_n3A_314 = arith.select %lt3A_312, %add3A_311, %select_n3A_292 : vector<1152x256xi1>, vector<1152x256xi32>
    %get3A_315 = arith.constant 0 : index
    %get3A_316 = arith.constant 0 : index
    %get3A_317 = arith.constant 3584 : index
    %get3A_318 = vector.load %arg3[%get3A_315, %get3A_316, %get3A_317] : memref<2x16x4096xbf16, #tpu.memory_space<vmem>>, vector<1x16x256xbf16>
    %get3A_319 = vector.shape_cast %get3A_318 : vector<1x16x256xbf16> to vector<16x256xbf16>
    %dot_general3A_320 = arith.constant dense<0.000000e+00> : vector<1152x256xf32>
    %dot_general3A_321 = tpu.matmul %get3A_1, %get3A_319, %dot_general3A_320 {dimension_numbers = #tpu.dot_dimension_numbers<[1], [0], [0], [1], [0, 0, 1, 1], [], []>, transpose_lhs_hint = false} : vector<1152x16xbf16>, vector<16x256xbf16>, vector<1152x256xf32> -> vector<1152x256xf32>
    %get3A_322 = arith.constant 0 : index
    %get3A_323 = arith.constant 0 : index
    %get3A_324 = arith.constant 3584 : index
    %get3A_325 = vector.load %arg4[%get3A_322, %get3A_323, %get3A_324] : memref<2x1x4096xf32, #tpu.memory_space<vmem>>, vector<1x1x256xf32>
    %get3A_326 = vector.shape_cast %get3A_325 : vector<1x1x256xf32> to vector<1x256xf32>
    %add3A_327 = vector.broadcast %get3A_4 : vector<1152x1xf32> to vector<1152x256xf32>
    %add3A_328 = vector.broadcast %get3A_326 : vector<1x256xf32> to vector<1152x256xf32>
    %add3A_329 = arith.addf %add3A_327, %add3A_328 : vector<1152x256xf32>
    %sub3A_330 = arith.subf %add3A_329, %dot_general3A_321 : vector<1152x256xf32>
    %add3A_331 = arith.constant 3584 : i32
    %add3A_332 = vector.broadcast %add3A_331 : i32 to vector<1152x256xi32>
    %add3A_333 = arith.addi %iota3A, %add3A_332 : vector<1152x256xi32>
    %lt3A_334 = arith.cmpf olt, %sub3A_330, %select_n3A_313 : vector<1152x256xf32>
    %select_n3A_335 = arith.select %lt3A_334, %sub3A_330, %select_n3A_313 : vector<1152x256xi1>, vector<1152x256xf32>
    %select_n3A_336 = arith.select %lt3A_334, %add3A_333, %select_n3A_314 : vector<1152x256xi1>, vector<1152x256xi32>
    %get3A_337 = arith.constant 0 : index
    %get3A_338 = arith.constant 0 : index
    %get3A_339 = arith.constant 3840 : index
    %get3A_340 = vector.load %arg3[%get3A_337, %get3A_338, %get3A_339] : memref<2x16x4096xbf16, #tpu.memory_space<vmem>>, vector<1x16x256xbf16>
    %get3A_341 = vector.shape_cast %get3A_340 : vector<1x16x256xbf16> to vector<16x256xbf16>
    %dot_general3A_342 = arith.constant dense<0.000000e+00> : vector<1152x256xf32>
    %dot_general3A_343 = tpu.matmul %get3A_1, %get3A_341, %dot_general3A_342 {dimension_numbers = #tpu.dot_dimension_numbers<[1], [0], [0], [1], [0, 0, 1, 1], [], []>, transpose_lhs_hint = false} : vector<1152x16xbf16>, vector<16x256xbf16>, vector<1152x256xf32> -> vector<1152x256xf32>
    %get3A_344 = arith.constant 0 : index
    %get3A_345 = arith.constant 0 : index
    %get3A_346 = arith.constant 3840 : index
    %get3A_347 = vector.load %arg4[%get3A_344, %get3A_345, %get3A_346] : memref<2x1x4096xf32, #tpu.memory_space<vmem>>, vector<1x1x256xf32>
    %get3A_348 = vector.shape_cast %get3A_347 : vector<1x1x256xf32> to vector<1x256xf32>
    %add3A_349 = vector.broadcast %get3A_4 : vector<1152x1xf32> to vector<1152x256xf32>
    %add3A_350 = vector.broadcast %get3A_348 : vector<1x256xf32> to vector<1152x256xf32>
    %add3A_351 = arith.addf %add3A_349, %add3A_350 : vector<1152x256xf32>
    %sub3A_352 = arith.subf %add3A_351, %dot_general3A_343 : vector<1152x256xf32>
    %add3A_353 = arith.constant 3840 : i32
    %add3A_354 = vector.broadcast %add3A_353 : i32 to vector<1152x256xi32>
    %add3A_355 = arith.addi %iota3A, %add3A_354 : vector<1152x256xi32>
    %lt3A_356 = arith.cmpf olt, %sub3A_352, %select_n3A_335 : vector<1152x256xf32>
    %select_n3A_357 = arith.select %lt3A_356, %sub3A_352, %select_n3A_335 : vector<1152x256xi1>, vector<1152x256xf32>
    %select_n3A_358 = arith.select %lt3A_356, %add3A_355, %select_n3A_336 : vector<1152x256xi1>, vector<1152x256xi32>
    %reduce_min3A = arith.constant dense<0x7F800000> : vector<1152xf32>
    %reduce_min3A_359 = vector.multi_reduction <minimumf>, %select_n3A_357, %reduce_min3A [1] : vector<1152x256xf32> to vector<1152xf32>
    %broadcast_in_dim3A_360 = vector.shape_cast %reduce_min3A_359 : vector<1152xf32> to vector<1152x1xf32>
    %eq3A = vector.broadcast %broadcast_in_dim3A_360 : vector<1152x1xf32> to vector<1152x256xf32>
    %eq3A_361 = arith.cmpf oeq, %select_n3A_357, %eq3A : vector<1152x256xf32>
    %jit3A = arith.constant 1073741824 : i32
    %broadcast_in_dim3A_362 = vector.broadcast %jit3A : i32 to vector<1152x256xi32>
    %select_n3A_363 = arith.select %eq3A_361, %select_n3A_358, %broadcast_in_dim3A_362 : vector<1152x256xi1>, vector<1152x256xi32>
    %reduce_min3A_364 = arith.constant dense<2147483647> : vector<1152xi32>
    %reduce_min3A_365 = vector.multi_reduction <minsi>, %select_n3A_363, %reduce_min3A_364 [1] : vector<1152x256xi32> to vector<1152xi32>
    %broadcast_in_dim3A_366 = vector.shape_cast %reduce_min3A_365 : vector<1152xi32> to vector<1152x1xi32>
    %lt3A_367 = arith.cmpf olt, %broadcast_in_dim3A_360, %broadcast_in_dim3A_5 : vector<1152x1xf32>
    %convert_element_type3A = arith.truncf %broadcast_in_dim3A_360 : vector<1152x1xf32> to vector<1152x1xbf16>
    %convert_element_type3A_368 = arith.extf %convert_element_type3A : vector<1152x1xbf16> to vector<1152x1xf32>
    %select_n3A_369 = arith.select %lt3A_367, %convert_element_type3A_368, %broadcast_in_dim3A_5 : vector<1152x1xi1>, vector<1152x1xf32>
    %select_n3A_370 = arith.select %lt3A_367, %broadcast_in_dim3A_366, %broadcast_in_dim3A_7 : vector<1152x1xi1>, vector<1152x1xi32>
    %broadcast_in_dim3A_371 = arith.constant 0x7F800000 : f32
    %broadcast_in_dim3A_372 = vector.broadcast %broadcast_in_dim3A_371 : f32 to vector<1152x256xf32>
    %broadcast_in_dim3A_373 = arith.constant 0 : i32
    %broadcast_in_dim3A_374 = vector.broadcast %broadcast_in_dim3A_373 : i32 to vector<1152x256xi32>
    %get3A_375 = arith.constant 1 : index
    %get3A_376 = arith.constant 0 : index
    %get3A_377 = arith.constant 0 : index
    %get3A_378 = vector.load %arg3[%get3A_375, %get3A_376, %get3A_377] : memref<2x16x4096xbf16, #tpu.memory_space<vmem>>, vector<1x16x256xbf16>
    %get3A_379 = vector.shape_cast %get3A_378 : vector<1x16x256xbf16> to vector<16x256xbf16>
    %dot_general3A_380 = arith.constant dense<0.000000e+00> : vector<1152x256xf32>
    %dot_general3A_381 = tpu.matmul %get3A_1, %get3A_379, %dot_general3A_380 {dimension_numbers = #tpu.dot_dimension_numbers<[1], [0], [0], [1], [0, 0, 1, 1], [], []>, transpose_lhs_hint = false} : vector<1152x16xbf16>, vector<16x256xbf16>, vector<1152x256xf32> -> vector<1152x256xf32>
    %get3A_382 = arith.constant 1 : index
    %get3A_383 = arith.constant 0 : index
    %get3A_384 = arith.constant 0 : index
    %get3A_385 = vector.load %arg4[%get3A_382, %get3A_383, %get3A_384] : memref<2x1x4096xf32, #tpu.memory_space<vmem>>, vector<1x1x256xf32>
    %get3A_386 = vector.shape_cast %get3A_385 : vector<1x1x256xf32> to vector<1x256xf32>
    %add3A_387 = vector.broadcast %get3A_4 : vector<1152x1xf32> to vector<1152x256xf32>
    %add3A_388 = vector.broadcast %get3A_386 : vector<1x256xf32> to vector<1152x256xf32>
    %add3A_389 = arith.addf %add3A_387, %add3A_388 : vector<1152x256xf32>
    %sub3A_390 = arith.subf %add3A_389, %dot_general3A_381 : vector<1152x256xf32>
    %add3A_391 = arith.constant 4096 : i32
    %add3A_392 = vector.broadcast %add3A_391 : i32 to vector<1152x256xi32>
    %add3A_393 = arith.addi %iota3A, %add3A_392 : vector<1152x256xi32>
    %lt3A_394 = arith.cmpf olt, %sub3A_390, %broadcast_in_dim3A_372 : vector<1152x256xf32>
    %select_n3A_395 = arith.select %lt3A_394, %sub3A_390, %broadcast_in_dim3A_372 : vector<1152x256xi1>, vector<1152x256xf32>
    %select_n3A_396 = arith.select %lt3A_394, %add3A_393, %broadcast_in_dim3A_374 : vector<1152x256xi1>, vector<1152x256xi32>
    %get3A_397 = arith.constant 1 : index
    %get3A_398 = arith.constant 0 : index
    %get3A_399 = arith.constant 256 : index
    %get3A_400 = vector.load %arg3[%get3A_397, %get3A_398, %get3A_399] : memref<2x16x4096xbf16, #tpu.memory_space<vmem>>, vector<1x16x256xbf16>
    %get3A_401 = vector.shape_cast %get3A_400 : vector<1x16x256xbf16> to vector<16x256xbf16>
    %dot_general3A_402 = arith.constant dense<0.000000e+00> : vector<1152x256xf32>
    %dot_general3A_403 = tpu.matmul %get3A_1, %get3A_401, %dot_general3A_402 {dimension_numbers = #tpu.dot_dimension_numbers<[1], [0], [0], [1], [0, 0, 1, 1], [], []>, transpose_lhs_hint = false} : vector<1152x16xbf16>, vector<16x256xbf16>, vector<1152x256xf32> -> vector<1152x256xf32>
    %get3A_404 = arith.constant 1 : index
    %get3A_405 = arith.constant 0 : index
    %get3A_406 = arith.constant 256 : index
    %get3A_407 = vector.load %arg4[%get3A_404, %get3A_405, %get3A_406] : memref<2x1x4096xf32, #tpu.memory_space<vmem>>, vector<1x1x256xf32>
    %get3A_408 = vector.shape_cast %get3A_407 : vector<1x1x256xf32> to vector<1x256xf32>
    %add3A_409 = vector.broadcast %get3A_4 : vector<1152x1xf32> to vector<1152x256xf32>
    %add3A_410 = vector.broadcast %get3A_408 : vector<1x256xf32> to vector<1152x256xf32>
    %add3A_411 = arith.addf %add3A_409, %add3A_410 : vector<1152x256xf32>
    %sub3A_412 = arith.subf %add3A_411, %dot_general3A_403 : vector<1152x256xf32>
    %add3A_413 = arith.constant 4352 : i32
    %add3A_414 = vector.broadcast %add3A_413 : i32 to vector<1152x256xi32>
    %add3A_415 = arith.addi %iota3A, %add3A_414 : vector<1152x256xi32>
    %lt3A_416 = arith.cmpf olt, %sub3A_412, %select_n3A_395 : vector<1152x256xf32>
    %select_n3A_417 = arith.select %lt3A_416, %sub3A_412, %select_n3A_395 : vector<1152x256xi1>, vector<1152x256xf32>
    %select_n3A_418 = arith.select %lt3A_416, %add3A_415, %select_n3A_396 : vector<1152x256xi1>, vector<1152x256xi32>
    %get3A_419 = arith.constant 1 : index
    %get3A_420 = arith.constant 0 : index
    %get3A_421 = arith.constant 512 : index
    %get3A_422 = vector.load %arg3[%get3A_419, %get3A_420, %get3A_421] : memref<2x16x4096xbf16, #tpu.memory_space<vmem>>, vector<1x16x256xbf16>
    %get3A_423 = vector.shape_cast %get3A_422 : vector<1x16x256xbf16> to vector<16x256xbf16>
    %dot_general3A_424 = arith.constant dense<0.000000e+00> : vector<1152x256xf32>
    %dot_general3A_425 = tpu.matmul %get3A_1, %get3A_423, %dot_general3A_424 {dimension_numbers = #tpu.dot_dimension_numbers<[1], [0], [0], [1], [0, 0, 1, 1], [], []>, transpose_lhs_hint = false} : vector<1152x16xbf16>, vector<16x256xbf16>, vector<1152x256xf32> -> vector<1152x256xf32>
    %get3A_426 = arith.constant 1 : index
    %get3A_427 = arith.constant 0 : index
    %get3A_428 = arith.constant 512 : index
    %get3A_429 = vector.load %arg4[%get3A_426, %get3A_427, %get3A_428] : memref<2x1x4096xf32, #tpu.memory_space<vmem>>, vector<1x1x256xf32>
    %get3A_430 = vector.shape_cast %get3A_429 : vector<1x1x256xf32> to vector<1x256xf32>
    %add3A_431 = vector.broadcast %get3A_4 : vector<1152x1xf32> to vector<1152x256xf32>
    %add3A_432 = vector.broadcast %get3A_430 : vector<1x256xf32> to vector<1152x256xf32>
    %add3A_433 = arith.addf %add3A_431, %add3A_432 : vector<1152x256xf32>
    %sub3A_434 = arith.subf %add3A_433, %dot_general3A_425 : vector<1152x256xf32>
    %add3A_435 = arith.constant 4608 : i32
    %add3A_436 = vector.broadcast %add3A_435 : i32 to vector<1152x256xi32>
    %add3A_437 = arith.addi %iota3A, %add3A_436 : vector<1152x256xi32>
    %lt3A_438 = arith.cmpf olt, %sub3A_434, %select_n3A_417 : vector<1152x256xf32>
    %select_n3A_439 = arith.select %lt3A_438, %sub3A_434, %select_n3A_417 : vector<1152x256xi1>, vector<1152x256xf32>
    %select_n3A_440 = arith.select %lt3A_438, %add3A_437, %select_n3A_418 : vector<1152x256xi1>, vector<1152x256xi32>
    %get3A_441 = arith.constant 1 : index
    %get3A_442 = arith.constant 0 : index
    %get3A_443 = arith.constant 768 : index
    %get3A_444 = vector.load %arg3[%get3A_441, %get3A_442, %get3A_443] : memref<2x16x4096xbf16, #tpu.memory_space<vmem>>, vector<1x16x256xbf16>
    %get3A_445 = vector.shape_cast %get3A_444 : vector<1x16x256xbf16> to vector<16x256xbf16>
    %dot_general3A_446 = arith.constant dense<0.000000e+00> : vector<1152x256xf32>
    %dot_general3A_447 = tpu.matmul %get3A_1, %get3A_445, %dot_general3A_446 {dimension_numbers = #tpu.dot_dimension_numbers<[1], [0], [0], [1], [0, 0, 1, 1], [], []>, transpose_lhs_hint = false} : vector<1152x16xbf16>, vector<16x256xbf16>, vector<1152x256xf32> -> vector<1152x256xf32>
    %get3A_448 = arith.constant 1 : index
    %get3A_449 = arith.constant 0 : index
    %get3A_450 = arith.constant 768 : index
    %get3A_451 = vector.load %arg4[%get3A_448, %get3A_449, %get3A_450] : memref<2x1x4096xf32, #tpu.memory_space<vmem>>, vector<1x1x256xf32>
    %get3A_452 = vector.shape_cast %get3A_451 : vector<1x1x256xf32> to vector<1x256xf32>
    %add3A_453 = vector.broadcast %get3A_4 : vector<1152x1xf32> to vector<1152x256xf32>
    %add3A_454 = vector.broadcast %get3A_452 : vector<1x256xf32> to vector<1152x256xf32>
    %add3A_455 = arith.addf %add3A_453, %add3A_454 : vector<1152x256xf32>
    %sub3A_456 = arith.subf %add3A_455, %dot_general3A_447 : vector<1152x256xf32>
    %add3A_457 = arith.constant 4864 : i32
    %add3A_458 = vector.broadcast %add3A_457 : i32 to vector<1152x256xi32>
    %add3A_459 = arith.addi %iota3A, %add3A_458 : vector<1152x256xi32>
    %lt3A_460 = arith.cmpf olt, %sub3A_456, %select_n3A_439 : vector<1152x256xf32>
    %select_n3A_461 = arith.select %lt3A_460, %sub3A_456, %select_n3A_439 : vector<1152x256xi1>, vector<1152x256xf32>
    %select_n3A_462 = arith.select %lt3A_460, %add3A_459, %select_n3A_440 : vector<1152x256xi1>, vector<1152x256xi32>
    %get3A_463 = arith.constant 1 : index
    %get3A_464 = arith.constant 0 : index
    %get3A_465 = arith.constant 1024 : index
    %get3A_466 = vector.load %arg3[%get3A_463, %get3A_464, %get3A_465] : memref<2x16x4096xbf16, #tpu.memory_space<vmem>>, vector<1x16x256xbf16>
    %get3A_467 = vector.shape_cast %get3A_466 : vector<1x16x256xbf16> to vector<16x256xbf16>
    %dot_general3A_468 = arith.constant dense<0.000000e+00> : vector<1152x256xf32>
    %dot_general3A_469 = tpu.matmul %get3A_1, %get3A_467, %dot_general3A_468 {dimension_numbers = #tpu.dot_dimension_numbers<[1], [0], [0], [1], [0, 0, 1, 1], [], []>, transpose_lhs_hint = false} : vector<1152x16xbf16>, vector<16x256xbf16>, vector<1152x256xf32> -> vector<1152x256xf32>
    %get3A_470 = arith.constant 1 : index
    %get3A_471 = arith.constant 0 : index
    %get3A_472 = arith.constant 1024 : index
    %get3A_473 = vector.load %arg4[%get3A_470, %get3A_471, %get3A_472] : memref<2x1x4096xf32, #tpu.memory_space<vmem>>, vector<1x1x256xf32>
    %get3A_474 = vector.shape_cast %get3A_473 : vector<1x1x256xf32> to vector<1x256xf32>
    %add3A_475 = vector.broadcast %get3A_4 : vector<1152x1xf32> to vector<1152x256xf32>
    %add3A_476 = vector.broadcast %get3A_474 : vector<1x256xf32> to vector<1152x256xf32>
    %add3A_477 = arith.addf %add3A_475, %add3A_476 : vector<1152x256xf32>
    %sub3A_478 = arith.subf %add3A_477, %dot_general3A_469 : vector<1152x256xf32>
    %add3A_479 = arith.constant 5120 : i32
    %add3A_480 = vector.broadcast %add3A_479 : i32 to vector<1152x256xi32>
    %add3A_481 = arith.addi %iota3A, %add3A_480 : vector<1152x256xi32>
    %lt3A_482 = arith.cmpf olt, %sub3A_478, %select_n3A_461 : vector<1152x256xf32>
    %select_n3A_483 = arith.select %lt3A_482, %sub3A_478, %select_n3A_461 : vector<1152x256xi1>, vector<1152x256xf32>
    %select_n3A_484 = arith.select %lt3A_482, %add3A_481, %select_n3A_462 : vector<1152x256xi1>, vector<1152x256xi32>
    %get3A_485 = arith.constant 1 : index
    %get3A_486 = arith.constant 0 : index
    %get3A_487 = arith.constant 1280 : index
    %get3A_488 = vector.load %arg3[%get3A_485, %get3A_486, %get3A_487] : memref<2x16x4096xbf16, #tpu.memory_space<vmem>>, vector<1x16x256xbf16>
    %get3A_489 = vector.shape_cast %get3A_488 : vector<1x16x256xbf16> to vector<16x256xbf16>
    %dot_general3A_490 = arith.constant dense<0.000000e+00> : vector<1152x256xf32>
    %dot_general3A_491 = tpu.matmul %get3A_1, %get3A_489, %dot_general3A_490 {dimension_numbers = #tpu.dot_dimension_numbers<[1], [0], [0], [1], [0, 0, 1, 1], [], []>, transpose_lhs_hint = false} : vector<1152x16xbf16>, vector<16x256xbf16>, vector<1152x256xf32> -> vector<1152x256xf32>
    %get3A_492 = arith.constant 1 : index
    %get3A_493 = arith.constant 0 : index
    %get3A_494 = arith.constant 1280 : index
    %get3A_495 = vector.load %arg4[%get3A_492, %get3A_493, %get3A_494] : memref<2x1x4096xf32, #tpu.memory_space<vmem>>, vector<1x1x256xf32>
    %get3A_496 = vector.shape_cast %get3A_495 : vector<1x1x256xf32> to vector<1x256xf32>
    %add3A_497 = vector.broadcast %get3A_4 : vector<1152x1xf32> to vector<1152x256xf32>
    %add3A_498 = vector.broadcast %get3A_496 : vector<1x256xf32> to vector<1152x256xf32>
    %add3A_499 = arith.addf %add3A_497, %add3A_498 : vector<1152x256xf32>
    %sub3A_500 = arith.subf %add3A_499, %dot_general3A_491 : vector<1152x256xf32>
    %add3A_501 = arith.constant 5376 : i32
    %add3A_502 = vector.broadcast %add3A_501 : i32 to vector<1152x256xi32>
    %add3A_503 = arith.addi %iota3A, %add3A_502 : vector<1152x256xi32>
    %lt3A_504 = arith.cmpf olt, %sub3A_500, %select_n3A_483 : vector<1152x256xf32>
    %select_n3A_505 = arith.select %lt3A_504, %sub3A_500, %select_n3A_483 : vector<1152x256xi1>, vector<1152x256xf32>
    %select_n3A_506 = arith.select %lt3A_504, %add3A_503, %select_n3A_484 : vector<1152x256xi1>, vector<1152x256xi32>
    %get3A_507 = arith.constant 1 : index
    %get3A_508 = arith.constant 0 : index
    %get3A_509 = arith.constant 1536 : index
    %get3A_510 = vector.load %arg3[%get3A_507, %get3A_508, %get3A_509] : memref<2x16x4096xbf16, #tpu.memory_space<vmem>>, vector<1x16x256xbf16>
    %get3A_511 = vector.shape_cast %get3A_510 : vector<1x16x256xbf16> to vector<16x256xbf16>
    %dot_general3A_512 = arith.constant dense<0.000000e+00> : vector<1152x256xf32>
    %dot_general3A_513 = tpu.matmul %get3A_1, %get3A_511, %dot_general3A_512 {dimension_numbers = #tpu.dot_dimension_numbers<[1], [0], [0], [1], [0, 0, 1, 1], [], []>, transpose_lhs_hint = false} : vector<1152x16xbf16>, vector<16x256xbf16>, vector<1152x256xf32> -> vector<1152x256xf32>
    %get3A_514 = arith.constant 1 : index
    %get3A_515 = arith.constant 0 : index
    %get3A_516 = arith.constant 1536 : index
    %get3A_517 = vector.load %arg4[%get3A_514, %get3A_515, %get3A_516] : memref<2x1x4096xf32, #tpu.memory_space<vmem>>, vector<1x1x256xf32>
    %get3A_518 = vector.shape_cast %get3A_517 : vector<1x1x256xf32> to vector<1x256xf32>
    %add3A_519 = vector.broadcast %get3A_4 : vector<1152x1xf32> to vector<1152x256xf32>
    %add3A_520 = vector.broadcast %get3A_518 : vector<1x256xf32> to vector<1152x256xf32>
    %add3A_521 = arith.addf %add3A_519, %add3A_520 : vector<1152x256xf32>
    %sub3A_522 = arith.subf %add3A_521, %dot_general3A_513 : vector<1152x256xf32>
    %add3A_523 = arith.constant 5632 : i32
    %add3A_524 = vector.broadcast %add3A_523 : i32 to vector<1152x256xi32>
    %add3A_525 = arith.addi %iota3A, %add3A_524 : vector<1152x256xi32>
    %lt3A_526 = arith.cmpf olt, %sub3A_522, %select_n3A_505 : vector<1152x256xf32>
    %select_n3A_527 = arith.select %lt3A_526, %sub3A_522, %select_n3A_505 : vector<1152x256xi1>, vector<1152x256xf32>
    %select_n3A_528 = arith.select %lt3A_526, %add3A_525, %select_n3A_506 : vector<1152x256xi1>, vector<1152x256xi32>
    %get3A_529 = arith.constant 1 : index
    %get3A_530 = arith.constant 0 : index
    %get3A_531 = arith.constant 1792 : index
    %get3A_532 = vector.load %arg3[%get3A_529, %get3A_530, %get3A_531] : memref<2x16x4096xbf16, #tpu.memory_space<vmem>>, vector<1x16x256xbf16>
    %get3A_533 = vector.shape_cast %get3A_532 : vector<1x16x256xbf16> to vector<16x256xbf16>
    %dot_general3A_534 = arith.constant dense<0.000000e+00> : vector<1152x256xf32>
    %dot_general3A_535 = tpu.matmul %get3A_1, %get3A_533, %dot_general3A_534 {dimension_numbers = #tpu.dot_dimension_numbers<[1], [0], [0], [1], [0, 0, 1, 1], [], []>, transpose_lhs_hint = false} : vector<1152x16xbf16>, vector<16x256xbf16>, vector<1152x256xf32> -> vector<1152x256xf32>
    %get3A_536 = arith.constant 1 : index
    %get3A_537 = arith.constant 0 : index
    %get3A_538 = arith.constant 1792 : index
    %get3A_539 = vector.load %arg4[%get3A_536, %get3A_537, %get3A_538] : memref<2x1x4096xf32, #tpu.memory_space<vmem>>, vector<1x1x256xf32>
    %get3A_540 = vector.shape_cast %get3A_539 : vector<1x1x256xf32> to vector<1x256xf32>
    %add3A_541 = vector.broadcast %get3A_4 : vector<1152x1xf32> to vector<1152x256xf32>
    %add3A_542 = vector.broadcast %get3A_540 : vector<1x256xf32> to vector<1152x256xf32>
    %add3A_543 = arith.addf %add3A_541, %add3A_542 : vector<1152x256xf32>
    %sub3A_544 = arith.subf %add3A_543, %dot_general3A_535 : vector<1152x256xf32>
    %add3A_545 = arith.constant 5888 : i32
    %add3A_546 = vector.broadcast %add3A_545 : i32 to vector<1152x256xi32>
    %add3A_547 = arith.addi %iota3A, %add3A_546 : vector<1152x256xi32>
    %lt3A_548 = arith.cmpf olt, %sub3A_544, %select_n3A_527 : vector<1152x256xf32>
    %select_n3A_549 = arith.select %lt3A_548, %sub3A_544, %select_n3A_527 : vector<1152x256xi1>, vector<1152x256xf32>
    %select_n3A_550 = arith.select %lt3A_548, %add3A_547, %select_n3A_528 : vector<1152x256xi1>, vector<1152x256xi32>
    %get3A_551 = arith.constant 1 : index
    %get3A_552 = arith.constant 0 : index
    %get3A_553 = arith.constant 2048 : index
    %get3A_554 = vector.load %arg3[%get3A_551, %get3A_552, %get3A_553] : memref<2x16x4096xbf16, #tpu.memory_space<vmem>>, vector<1x16x256xbf16>
    %get3A_555 = vector.shape_cast %get3A_554 : vector<1x16x256xbf16> to vector<16x256xbf16>
    %dot_general3A_556 = arith.constant dense<0.000000e+00> : vector<1152x256xf32>
    %dot_general3A_557 = tpu.matmul %get3A_1, %get3A_555, %dot_general3A_556 {dimension_numbers = #tpu.dot_dimension_numbers<[1], [0], [0], [1], [0, 0, 1, 1], [], []>, transpose_lhs_hint = false} : vector<1152x16xbf16>, vector<16x256xbf16>, vector<1152x256xf32> -> vector<1152x256xf32>
    %get3A_558 = arith.constant 1 : index
    %get3A_559 = arith.constant 0 : index
    %get3A_560 = arith.constant 2048 : index
    %get3A_561 = vector.load %arg4[%get3A_558, %get3A_559, %get3A_560] : memref<2x1x4096xf32, #tpu.memory_space<vmem>>, vector<1x1x256xf32>
    %get3A_562 = vector.shape_cast %get3A_561 : vector<1x1x256xf32> to vector<1x256xf32>
    %add3A_563 = vector.broadcast %get3A_4 : vector<1152x1xf32> to vector<1152x256xf32>
    %add3A_564 = vector.broadcast %get3A_562 : vector<1x256xf32> to vector<1152x256xf32>
    %add3A_565 = arith.addf %add3A_563, %add3A_564 : vector<1152x256xf32>
    %sub3A_566 = arith.subf %add3A_565, %dot_general3A_557 : vector<1152x256xf32>
    %add3A_567 = arith.constant 6144 : i32
    %add3A_568 = vector.broadcast %add3A_567 : i32 to vector<1152x256xi32>
    %add3A_569 = arith.addi %iota3A, %add3A_568 : vector<1152x256xi32>
    %lt3A_570 = arith.cmpf olt, %sub3A_566, %select_n3A_549 : vector<1152x256xf32>
    %select_n3A_571 = arith.select %lt3A_570, %sub3A_566, %select_n3A_549 : vector<1152x256xi1>, vector<1152x256xf32>
    %select_n3A_572 = arith.select %lt3A_570, %add3A_569, %select_n3A_550 : vector<1152x256xi1>, vector<1152x256xi32>
    %get3A_573 = arith.constant 1 : index
    %get3A_574 = arith.constant 0 : index
    %get3A_575 = arith.constant 2304 : index
    %get3A_576 = vector.load %arg3[%get3A_573, %get3A_574, %get3A_575] : memref<2x16x4096xbf16, #tpu.memory_space<vmem>>, vector<1x16x256xbf16>
    %get3A_577 = vector.shape_cast %get3A_576 : vector<1x16x256xbf16> to vector<16x256xbf16>
    %dot_general3A_578 = arith.constant dense<0.000000e+00> : vector<1152x256xf32>
    %dot_general3A_579 = tpu.matmul %get3A_1, %get3A_577, %dot_general3A_578 {dimension_numbers = #tpu.dot_dimension_numbers<[1], [0], [0], [1], [0, 0, 1, 1], [], []>, transpose_lhs_hint = false} : vector<1152x16xbf16>, vector<16x256xbf16>, vector<1152x256xf32> -> vector<1152x256xf32>
    %get3A_580 = arith.constant 1 : index
    %get3A_581 = arith.constant 0 : index
    %get3A_582 = arith.constant 2304 : index
    %get3A_583 = vector.load %arg4[%get3A_580, %get3A_581, %get3A_582] : memref<2x1x4096xf32, #tpu.memory_space<vmem>>, vector<1x1x256xf32>
    %get3A_584 = vector.shape_cast %get3A_583 : vector<1x1x256xf32> to vector<1x256xf32>
    %add3A_585 = vector.broadcast %get3A_4 : vector<1152x1xf32> to vector<1152x256xf32>
    %add3A_586 = vector.broadcast %get3A_584 : vector<1x256xf32> to vector<1152x256xf32>
    %add3A_587 = arith.addf %add3A_585, %add3A_586 : vector<1152x256xf32>
    %sub3A_588 = arith.subf %add3A_587, %dot_general3A_579 : vector<1152x256xf32>
    %add3A_589 = arith.constant 6400 : i32
    %add3A_590 = vector.broadcast %add3A_589 : i32 to vector<1152x256xi32>
    %add3A_591 = arith.addi %iota3A, %add3A_590 : vector<1152x256xi32>
    %lt3A_592 = arith.cmpf olt, %sub3A_588, %select_n3A_571 : vector<1152x256xf32>
    %select_n3A_593 = arith.select %lt3A_592, %sub3A_588, %select_n3A_571 : vector<1152x256xi1>, vector<1152x256xf32>
    %select_n3A_594 = arith.select %lt3A_592, %add3A_591, %select_n3A_572 : vector<1152x256xi1>, vector<1152x256xi32>
    %get3A_595 = arith.constant 1 : index
    %get3A_596 = arith.constant 0 : index
    %get3A_597 = arith.constant 2560 : index
    %get3A_598 = vector.load %arg3[%get3A_595, %get3A_596, %get3A_597] : memref<2x16x4096xbf16, #tpu.memory_space<vmem>>, vector<1x16x256xbf16>
    %get3A_599 = vector.shape_cast %get3A_598 : vector<1x16x256xbf16> to vector<16x256xbf16>
    %dot_general3A_600 = arith.constant dense<0.000000e+00> : vector<1152x256xf32>
    %dot_general3A_601 = tpu.matmul %get3A_1, %get3A_599, %dot_general3A_600 {dimension_numbers = #tpu.dot_dimension_numbers<[1], [0], [0], [1], [0, 0, 1, 1], [], []>, transpose_lhs_hint = false} : vector<1152x16xbf16>, vector<16x256xbf16>, vector<1152x256xf32> -> vector<1152x256xf32>
    %get3A_602 = arith.constant 1 : index
    %get3A_603 = arith.constant 0 : index
    %get3A_604 = arith.constant 2560 : index
    %get3A_605 = vector.load %arg4[%get3A_602, %get3A_603, %get3A_604] : memref<2x1x4096xf32, #tpu.memory_space<vmem>>, vector<1x1x256xf32>
    %get3A_606 = vector.shape_cast %get3A_605 : vector<1x1x256xf32> to vector<1x256xf32>
    %add3A_607 = vector.broadcast %get3A_4 : vector<1152x1xf32> to vector<1152x256xf32>
    %add3A_608 = vector.broadcast %get3A_606 : vector<1x256xf32> to vector<1152x256xf32>
    %add3A_609 = arith.addf %add3A_607, %add3A_608 : vector<1152x256xf32>
    %sub3A_610 = arith.subf %add3A_609, %dot_general3A_601 : vector<1152x256xf32>
    %add3A_611 = arith.constant 6656 : i32
    %add3A_612 = vector.broadcast %add3A_611 : i32 to vector<1152x256xi32>
    %add3A_613 = arith.addi %iota3A, %add3A_612 : vector<1152x256xi32>
    %lt3A_614 = arith.cmpf olt, %sub3A_610, %select_n3A_593 : vector<1152x256xf32>
    %select_n3A_615 = arith.select %lt3A_614, %sub3A_610, %select_n3A_593 : vector<1152x256xi1>, vector<1152x256xf32>
    %select_n3A_616 = arith.select %lt3A_614, %add3A_613, %select_n3A_594 : vector<1152x256xi1>, vector<1152x256xi32>
    %get3A_617 = arith.constant 1 : index
    %get3A_618 = arith.constant 0 : index
    %get3A_619 = arith.constant 2816 : index
    %get3A_620 = vector.load %arg3[%get3A_617, %get3A_618, %get3A_619] : memref<2x16x4096xbf16, #tpu.memory_space<vmem>>, vector<1x16x256xbf16>
    %get3A_621 = vector.shape_cast %get3A_620 : vector<1x16x256xbf16> to vector<16x256xbf16>
    %dot_general3A_622 = arith.constant dense<0.000000e+00> : vector<1152x256xf32>
    %dot_general3A_623 = tpu.matmul %get3A_1, %get3A_621, %dot_general3A_622 {dimension_numbers = #tpu.dot_dimension_numbers<[1], [0], [0], [1], [0, 0, 1, 1], [], []>, transpose_lhs_hint = false} : vector<1152x16xbf16>, vector<16x256xbf16>, vector<1152x256xf32> -> vector<1152x256xf32>
    %get3A_624 = arith.constant 1 : index
    %get3A_625 = arith.constant 0 : index
    %get3A_626 = arith.constant 2816 : index
    %get3A_627 = vector.load %arg4[%get3A_624, %get3A_625, %get3A_626] : memref<2x1x4096xf32, #tpu.memory_space<vmem>>, vector<1x1x256xf32>
    %get3A_628 = vector.shape_cast %get3A_627 : vector<1x1x256xf32> to vector<1x256xf32>
    %add3A_629 = vector.broadcast %get3A_4 : vector<1152x1xf32> to vector<1152x256xf32>
    %add3A_630 = vector.broadcast %get3A_628 : vector<1x256xf32> to vector<1152x256xf32>
    %add3A_631 = arith.addf %add3A_629, %add3A_630 : vector<1152x256xf32>
    %sub3A_632 = arith.subf %add3A_631, %dot_general3A_623 : vector<1152x256xf32>
    %add3A_633 = arith.constant 6912 : i32
    %add3A_634 = vector.broadcast %add3A_633 : i32 to vector<1152x256xi32>
    %add3A_635 = arith.addi %iota3A, %add3A_634 : vector<1152x256xi32>
    %lt3A_636 = arith.cmpf olt, %sub3A_632, %select_n3A_615 : vector<1152x256xf32>
    %select_n3A_637 = arith.select %lt3A_636, %sub3A_632, %select_n3A_615 : vector<1152x256xi1>, vector<1152x256xf32>
    %select_n3A_638 = arith.select %lt3A_636, %add3A_635, %select_n3A_616 : vector<1152x256xi1>, vector<1152x256xi32>
    %get3A_639 = arith.constant 1 : index
    %get3A_640 = arith.constant 0 : index
    %get3A_641 = arith.constant 3072 : index
    %get3A_642 = vector.load %arg3[%get3A_639, %get3A_640, %get3A_641] : memref<2x16x4096xbf16, #tpu.memory_space<vmem>>, vector<1x16x256xbf16>
    %get3A_643 = vector.shape_cast %get3A_642 : vector<1x16x256xbf16> to vector<16x256xbf16>
    %dot_general3A_644 = arith.constant dense<0.000000e+00> : vector<1152x256xf32>
    %dot_general3A_645 = tpu.matmul %get3A_1, %get3A_643, %dot_general3A_644 {dimension_numbers = #tpu.dot_dimension_numbers<[1], [0], [0], [1], [0, 0, 1, 1], [], []>, transpose_lhs_hint = false} : vector<1152x16xbf16>, vector<16x256xbf16>, vector<1152x256xf32> -> vector<1152x256xf32>
    %get3A_646 = arith.constant 1 : index
    %get3A_647 = arith.constant 0 : index
    %get3A_648 = arith.constant 3072 : index
    %get3A_649 = vector.load %arg4[%get3A_646, %get3A_647, %get3A_648] : memref<2x1x4096xf32, #tpu.memory_space<vmem>>, vector<1x1x256xf32>
    %get3A_650 = vector.shape_cast %get3A_649 : vector<1x1x256xf32> to vector<1x256xf32>
    %add3A_651 = vector.broadcast %get3A_4 : vector<1152x1xf32> to vector<1152x256xf32>
    %add3A_652 = vector.broadcast %get3A_650 : vector<1x256xf32> to vector<1152x256xf32>
    %add3A_653 = arith.addf %add3A_651, %add3A_652 : vector<1152x256xf32>
    %sub3A_654 = arith.subf %add3A_653, %dot_general3A_645 : vector<1152x256xf32>
    %add3A_655 = arith.constant 7168 : i32
    %add3A_656 = vector.broadcast %add3A_655 : i32 to vector<1152x256xi32>
    %add3A_657 = arith.addi %iota3A, %add3A_656 : vector<1152x256xi32>
    %lt3A_658 = arith.cmpf olt, %sub3A_654, %select_n3A_637 : vector<1152x256xf32>
    %select_n3A_659 = arith.select %lt3A_658, %sub3A_654, %select_n3A_637 : vector<1152x256xi1>, vector<1152x256xf32>
    %select_n3A_660 = arith.select %lt3A_658, %add3A_657, %select_n3A_638 : vector<1152x256xi1>, vector<1152x256xi32>
    %get3A_661 = arith.constant 1 : index
    %get3A_662 = arith.constant 0 : index
    %get3A_663 = arith.constant 3328 : index
    %get3A_664 = vector.load %arg3[%get3A_661, %get3A_662, %get3A_663] : memref<2x16x4096xbf16, #tpu.memory_space<vmem>>, vector<1x16x256xbf16>
    %get3A_665 = vector.shape_cast %get3A_664 : vector<1x16x256xbf16> to vector<16x256xbf16>
    %dot_general3A_666 = arith.constant dense<0.000000e+00> : vector<1152x256xf32>
    %dot_general3A_667 = tpu.matmul %get3A_1, %get3A_665, %dot_general3A_666 {dimension_numbers = #tpu.dot_dimension_numbers<[1], [0], [0], [1], [0, 0, 1, 1], [], []>, transpose_lhs_hint = false} : vector<1152x16xbf16>, vector<16x256xbf16>, vector<1152x256xf32> -> vector<1152x256xf32>
    %get3A_668 = arith.constant 1 : index
    %get3A_669 = arith.constant 0 : index
    %get3A_670 = arith.constant 3328 : index
    %get3A_671 = vector.load %arg4[%get3A_668, %get3A_669, %get3A_670] : memref<2x1x4096xf32, #tpu.memory_space<vmem>>, vector<1x1x256xf32>
    %get3A_672 = vector.shape_cast %get3A_671 : vector<1x1x256xf32> to vector<1x256xf32>
    %add3A_673 = vector.broadcast %get3A_4 : vector<1152x1xf32> to vector<1152x256xf32>
    %add3A_674 = vector.broadcast %get3A_672 : vector<1x256xf32> to vector<1152x256xf32>
    %add3A_675 = arith.addf %add3A_673, %add3A_674 : vector<1152x256xf32>
    %sub3A_676 = arith.subf %add3A_675, %dot_general3A_667 : vector<1152x256xf32>
    %add3A_677 = arith.constant 7424 : i32
    %add3A_678 = vector.broadcast %add3A_677 : i32 to vector<1152x256xi32>
    %add3A_679 = arith.addi %iota3A, %add3A_678 : vector<1152x256xi32>
    %lt3A_680 = arith.cmpf olt, %sub3A_676, %select_n3A_659 : vector<1152x256xf32>
    %select_n3A_681 = arith.select %lt3A_680, %sub3A_676, %select_n3A_659 : vector<1152x256xi1>, vector<1152x256xf32>
    %select_n3A_682 = arith.select %lt3A_680, %add3A_679, %select_n3A_660 : vector<1152x256xi1>, vector<1152x256xi32>
    %get3A_683 = arith.constant 1 : index
    %get3A_684 = arith.constant 0 : index
    %get3A_685 = arith.constant 3584 : index
    %get3A_686 = vector.load %arg3[%get3A_683, %get3A_684, %get3A_685] : memref<2x16x4096xbf16, #tpu.memory_space<vmem>>, vector<1x16x256xbf16>
    %get3A_687 = vector.shape_cast %get3A_686 : vector<1x16x256xbf16> to vector<16x256xbf16>
    %dot_general3A_688 = arith.constant dense<0.000000e+00> : vector<1152x256xf32>
    %dot_general3A_689 = tpu.matmul %get3A_1, %get3A_687, %dot_general3A_688 {dimension_numbers = #tpu.dot_dimension_numbers<[1], [0], [0], [1], [0, 0, 1, 1], [], []>, transpose_lhs_hint = false} : vector<1152x16xbf16>, vector<16x256xbf16>, vector<1152x256xf32> -> vector<1152x256xf32>
    %get3A_690 = arith.constant 1 : index
    %get3A_691 = arith.constant 0 : index
    %get3A_692 = arith.constant 3584 : index
    %get3A_693 = vector.load %arg4[%get3A_690, %get3A_691, %get3A_692] : memref<2x1x4096xf32, #tpu.memory_space<vmem>>, vector<1x1x256xf32>
    %get3A_694 = vector.shape_cast %get3A_693 : vector<1x1x256xf32> to vector<1x256xf32>
    %add3A_695 = vector.broadcast %get3A_4 : vector<1152x1xf32> to vector<1152x256xf32>
    %add3A_696 = vector.broadcast %get3A_694 : vector<1x256xf32> to vector<1152x256xf32>
    %add3A_697 = arith.addf %add3A_695, %add3A_696 : vector<1152x256xf32>
    %sub3A_698 = arith.subf %add3A_697, %dot_general3A_689 : vector<1152x256xf32>
    %add3A_699 = arith.constant 7680 : i32
    %add3A_700 = vector.broadcast %add3A_699 : i32 to vector<1152x256xi32>
    %add3A_701 = arith.addi %iota3A, %add3A_700 : vector<1152x256xi32>
    %lt3A_702 = arith.cmpf olt, %sub3A_698, %select_n3A_681 : vector<1152x256xf32>
    %select_n3A_703 = arith.select %lt3A_702, %sub3A_698, %select_n3A_681 : vector<1152x256xi1>, vector<1152x256xf32>
    %select_n3A_704 = arith.select %lt3A_702, %add3A_701, %select_n3A_682 : vector<1152x256xi1>, vector<1152x256xi32>
    %get3A_705 = arith.constant 1 : index
    %get3A_706 = arith.constant 0 : index
    %get3A_707 = arith.constant 3840 : index
    %get3A_708 = vector.load %arg3[%get3A_705, %get3A_706, %get3A_707] : memref<2x16x4096xbf16, #tpu.memory_space<vmem>>, vector<1x16x256xbf16>
    %get3A_709 = vector.shape_cast %get3A_708 : vector<1x16x256xbf16> to vector<16x256xbf16>
    %dot_general3A_710 = arith.constant dense<0.000000e+00> : vector<1152x256xf32>
    %dot_general3A_711 = tpu.matmul %get3A_1, %get3A_709, %dot_general3A_710 {dimension_numbers = #tpu.dot_dimension_numbers<[1], [0], [0], [1], [0, 0, 1, 1], [], []>, transpose_lhs_hint = false} : vector<1152x16xbf16>, vector<16x256xbf16>, vector<1152x256xf32> -> vector<1152x256xf32>
    %get3A_712 = arith.constant 1 : index
    %get3A_713 = arith.constant 0 : index
    %get3A_714 = arith.constant 3840 : index
    %get3A_715 = vector.load %arg4[%get3A_712, %get3A_713, %get3A_714] : memref<2x1x4096xf32, #tpu.memory_space<vmem>>, vector<1x1x256xf32>
    %get3A_716 = vector.shape_cast %get3A_715 : vector<1x1x256xf32> to vector<1x256xf32>
    %add3A_717 = vector.broadcast %get3A_4 : vector<1152x1xf32> to vector<1152x256xf32>
    %add3A_718 = vector.broadcast %get3A_716 : vector<1x256xf32> to vector<1152x256xf32>
    %add3A_719 = arith.addf %add3A_717, %add3A_718 : vector<1152x256xf32>
    %sub3A_720 = arith.subf %add3A_719, %dot_general3A_711 : vector<1152x256xf32>
    %add3A_721 = arith.constant 7936 : i32
    %add3A_722 = vector.broadcast %add3A_721 : i32 to vector<1152x256xi32>
    %add3A_723 = arith.addi %iota3A, %add3A_722 : vector<1152x256xi32>
    %lt3A_724 = arith.cmpf olt, %sub3A_720, %select_n3A_703 : vector<1152x256xf32>
    %select_n3A_725 = arith.select %lt3A_724, %sub3A_720, %select_n3A_703 : vector<1152x256xi1>, vector<1152x256xf32>
    %select_n3A_726 = arith.select %lt3A_724, %add3A_723, %select_n3A_704 : vector<1152x256xi1>, vector<1152x256xi32>
    %reduce_min3A_727 = arith.constant dense<0x7F800000> : vector<1152xf32>
    %reduce_min3A_728 = vector.multi_reduction <minimumf>, %select_n3A_725, %reduce_min3A_727 [1] : vector<1152x256xf32> to vector<1152xf32>
    %broadcast_in_dim3A_729 = vector.shape_cast %reduce_min3A_728 : vector<1152xf32> to vector<1152x1xf32>
    %eq3A_730 = vector.broadcast %broadcast_in_dim3A_729 : vector<1152x1xf32> to vector<1152x256xf32>
    %eq3A_731 = arith.cmpf oeq, %select_n3A_725, %eq3A_730 : vector<1152x256xf32>
    %jit3A_732 = arith.constant 1073741824 : i32
    %broadcast_in_dim3A_733 = vector.broadcast %jit3A_732 : i32 to vector<1152x256xi32>
    %select_n3A_734 = arith.select %eq3A_731, %select_n3A_726, %broadcast_in_dim3A_733 : vector<1152x256xi1>, vector<1152x256xi32>
    %reduce_min3A_735 = arith.constant dense<2147483647> : vector<1152xi32>
    %reduce_min3A_736 = vector.multi_reduction <minsi>, %select_n3A_734, %reduce_min3A_735 [1] : vector<1152x256xi32> to vector<1152xi32>
    %broadcast_in_dim3A_737 = vector.shape_cast %reduce_min3A_736 : vector<1152xi32> to vector<1152x1xi32>
    %lt3A_738 = arith.cmpf olt, %broadcast_in_dim3A_729, %select_n3A_369 : vector<1152x1xf32>
    %select_n3A_739 = arith.select %lt3A_738, %broadcast_in_dim3A_737, %select_n3A_370 : vector<1152x1xi1>, vector<1152x1xi32>
    %swap3A = arith.constant 0 : index
    %swap3A_740 = arith.constant 0 : index
    %swap3A_741 = vector.load %arg5[%swap3A, %swap3A_740] : memref<1152x1xi32, #tpu.memory_space<vmem>>, vector<1152x1xi32>
    tpu.vector_store %arg5[%swap3A, %swap3A_740], %select_n3A_739 {strides = array<i32>} : memref<1152x1xi32, #tpu.memory_space<vmem>>, vector<1152x1xi32>,
    return
  }
  func.func @transform_0(%arg0: i32) -> (i32, i32) {
    %c0_i32 = arith.constant 0 : i32
    %c0_i32_0 = arith.constant 0 : i32
    return %arg0, %c0_i32 : i32, i32
  }
  func.func @transform_1(%arg0: i32) -> (i32, i32) {
    %c0_i32 = arith.constant 0 : i32
    %c0_i32_0 = arith.constant 0 : i32
    return %arg0, %c0_i32 : i32, i32
  }
  func.func @transform_2(%arg0: i32) -> (i32, i32, i32) {
    %c0_i32 = arith.constant 0 : i32
    %c0_i32_0 = arith.constant 0 : i32
    %c0_i32_1 = arith.constant 0 : i32
    %c0_i32_2 = arith.constant 0 : i32
    return %c0_i32, %c0_i32_0, %c0_i32_1 : i32, i32, i32
  }
  func.func @transform_3(%arg0: i32) -> (i32, i32, i32) {
    %c0_i32 = arith.constant 0 : i32
    %c0_i32_0 = arith.constant 0 : i32
    %c0_i32_1 = arith.constant 0 : i32
    %c0_i32_2 = arith.constant 0 : i32
    return %c0_i32, %c0_i32_0, %c0_i32_1 : i32, i32, i32
  }
  func.func @transform_4(%arg0: i32) -> (i32, i32) {
    %c0_i32 = arith.constant 0 : i32
    %c0_i32_0 = arith.constant 0 : i32
    return %arg0, %c0_i32 : i32, i32
  }
}

</mosaic_0001>

<sc_bundles>
// kernel: kernel.4.cloned.1.call-start
scs
__scs_entry_jumppad:
0x0: {  	(pc) =	sbr.rel $0x88, $3  }
0x1: {  	(tag) =	ssettag $0x0;
	lr =	simm.s32 $0x1  }
0x2: {  	[smem:$0x3F8B] =	sst lr;
	_ =	strace $0xD0000000  }
0x3: {  	_ = 	snop  }
0x4: {  	_ = 	snop  }
0x5: {  	_ = 	snop  }
0x6: {  	_ = 	snop  }
0x7: {  	_ = 	snop  }
__scs_overlays_trampoline_lowered:
0x8: {  	[smem:$0x3F9A] =	sst s0  }
0x9: {  	[smem:$0x3F9B] =	sst s1  }
0xa: {  	[smem:$0x3F9C] =	sst s2  }
0xb: {  	[smem:$0x3F9D] =	sst s3  }
0xc: {  	[smem:$0x3F9E] =	sst s4  }
0xd: {  	[smem:$0x3F9F] =	sst s5  }
0xe: {  	[smem:$0x3FA0] =	sst s6  }
0xf: {  	[smem:$0x3FA1] =	sst s7  }
0x10: {  	[smem:$0x3FA2] =	sst s8  }
0x11: {  	[smem:$0x3FA3] =	sst s9;
	s0 =	simm.s32 @!p0 $0x0  }
0x12: {  	s1 =	sld [smem:$0x3F89];
	s0 =	simm.s32 @p0 $0x1  }
0x13: {  	[smem:$0x3FA4] =	sst s0;
	s0 =	simm.s32 @!p1 $0x0  }
0x14: {  	s2 =	sld [smem:$0x3F88];
	s0 =	simm.s32 @p1 $0x1  }
0x15: {  	[smem:$0x3FA5] =	sst s0;
	s0 =	simm.s32 @!p2 $0x0  }
0x16: {  	s3 =	sld [smem:$0x3FDB];
	s0 =	simm.s32 @p2 $0x1  }
0x17: {  	s4 =	simm.s32 $0x1BF5;
	[smem:$0x3FA7] =	sst s0  }
0x18: {  	s0 =	sld [smem:$0x3F8A];
	_ =	swait.ge [sflag:s4], $0x0  }
0x19: {  	s7 =	sld [smem:$0x3F8B]  }
0x1a: {  	s8 =	sadd.s32 $0xFFFFE003, lr  }
0x1b: {  	s9 =	sadd.s32 $0xFFFFFEF7, lr;
	s5 =	simm.s32 $0xFFFFFFFF;
	p2 =	slt.u32 s8, $0xFFFFF086  }
0x1c: {  	p1 =	slt.u32 s9, $0xF7A;
	s5 =	simm.s32 @!p2 $0x0  }
0x1d: {  	s5 =	simm.s32 @p1 $0x1;
	p0 =	seq.s32 s7, s2  }
0x1e: {  	s7 =	smul.u32 @!p0 $0xF7A, s2;
	p2 =	seq.s32 @!p0 s5, $0x0  }
0x1f: {  	s9 =	smul.u32 $0xF7A, s1;
	s8 =	simm.s32 @!p0 $0x1BF5;
	p2 =	por !p2, p0  }
0x20: {  	[sflag:s8] =	ssyncset.s32 @!p0 $0xFFFFF086;
	s6 =	sadd.s32 @!p0 s3, s7;
	s7 =	simm.s32 @!p0 $0x108  }
0x21: {  	s3 =	sadd.s32 s3, s9;
	s6 =	sadd.s32 @!p0 $0x88, s6;
	s7 =	simm.s32 @p2 $0x1082  }
0x22: {  	[simem:s7], [sflag:s8] =	dma.local @!p0 [hbm:s6], $0xF7A  }
0x23: {  	s9 =	sor.u32 $0xD0000000, s2;
	s6 =	simm.s32 $0x108;
	_ =	swait.ge @!p0 [sflag:s8], $0x0  }
0x24: {  	s3 =	sadd.s32 $0x88, s3;
	s6 =	simm.s32 @!p1 $0x1082;
	[sflag:s4] =	ssyncset.s32 $0xFFFFF086  }
0x25: {  	[simem:s6], [sflag:s4] =	dma.local [hbm:s3], $0xF7A  }
0x26: {  	[smem:$0x3F8B] =	sst s1;
	(tag) =	ssettag s2;
	_ =	strace s9  }
0x27: {  	s1 =	sld [smem:$0x3F9B]  }
0x28: {  	s2 =	sld [smem:$0x3F9C]  }
0x29: {  	s4 =	sld [smem:$0x3F9E]  }
0x2a: {  	p0 =	seq.s32 s5, $0x0;
	s5 =	sld [smem:$0x3F9F]  }
0x2b: {  	s6 =	sld [smem:$0x3FA0]  }
0x2c: {  	s7 =	sld [smem:$0x3FA1]  }
0x2d: {  	s3 =	simm.s32 $0x108;
	s8 =	sld [smem:$0x3FA2]  }
0x2e: {  	s3 =	simm.s32 @!p0 $0x1082;
	s9 =	sld [smem:$0x3FA3]  }
0x2f: {  	lr =	sadd.s32 s0, s3;
	s0 =	sld [smem:$0x3F9A]  }
0x30: {  	s3 =	sld [smem:$0x3F9D]  }
0x31: {  	[smem:$0x3FA6] =	sst s10  }
0x32: {  	s10 =	sld [smem:$0x3FA4];
	_ =	sdelay $0x3  }
0x33: {  	p0 =	seq.s32 s10, $0x1;
	s10 =	sld [smem:$0x3FA6];
	_ =	sdelay $0x3  }
0x34: {  	[smem:$0x3FA6] =	sst s10  }
0x35: {  	s10 =	sld [smem:$0x3FA5];
	_ =	sdelay $0x3  }
0x36: {  	p1 =	seq.s32 s10, $0x1;
	s10 =	sld [smem:$0x3FA6];
	_ =	sdelay $0x3  }
0x37: {  	[smem:$0x3FA6] =	sst s10  }
0x38: {  	s10 =	sld [smem:$0x3FA7]  }
0x39: {  	_ = 	snop;
	(pc) =	sbr.ind lr, $3  }
0x3a: {  	_ = 	snop  }
0x3b: {  	_ = 	snop  }
0x3c: {  	p2 =	seq.s32 s10, $0x1;
	s10 =	sld [smem:$0x3FA6]  }
0x3d: {  	_ =	shalt  }
0x3e: {  	_ =	shalt  }
0x3f: {  	_ =	shalt  }
0x40: {  	_ =	shalt  }
0x41: {  	_ =	shalt  }
0x42: {  	_ =	shalt  }
0x43: {  	_ =	shalt  }
0x44: {  	_ =	shalt  }
0x45: {  	_ =	shalt  }
0x46: {  	_ =	shalt  }
0x47: {  	_ =	shalt  }
0x48: {  	_ =	shalt  }
0x49: {  	_ =	shalt  }
0x4a: {  	_ =	shalt  }
0x4b: {  	_ =	shalt  }
0x4c: {  	_ =	shalt  }
0x4d: {  	_ =	shalt  }
0x4e: {  	_ =	shalt  }
0x4f: {  	_ =	shalt  }
0x50: {  	_ =	shalt  }
0x51: {  	_ =	shalt  }
0x52: {  	_ =	shalt  }
0x53: {  	_ =	shalt  }
0x54: {  	_ =	shalt  }
0x55: {  	_ =	shalt  }
0x56: {  	_ =	shalt  }
0x57: {  	_ =	shalt  }
0x58: {  	_ =	shalt  }
0x59: {  	_ =	shalt  }
0x5a: {  	_ =	shalt  }
0x5b: {  	_ =	shalt  }
0x5c: {  	_ =	shalt  }
0x5d: {  	_ =	shalt  }
0x5e: {  	_ =	shalt  }
0x5f: {  	_ =	shalt  }
0x60: {  	_ =	shalt  }
0x61: {  	_ =	shalt  }
0x62: {  	_ =	shalt  }
0x63: {  	_ =	shalt  }
0x64: {  	_ =	shalt  }
0x65: {  	_ =	shalt  }
0x66: {  	_ =	shalt  }
0x67: {  	_ =	shalt  }
0x68: {  	_ =	shalt  }
0x69: {  	_ =	shalt  }
0x6a: {  	_ =	shalt  }
0x6b: {  	_ =	shalt  }
0x6c: {  	_ =	shalt  }
0x6d: {  	_ =	shalt  }
0x6e: {  	_ =	shalt  }
0x6f: {  	_ =	shalt  }
0x70: {  	_ =	shalt  }
0x71: {  	_ =	shalt  }
0x72: {  	_ =	shalt  }
0x73: {  	_ =	shalt  }
0x74: {  	_ =	shalt  }
0x75: {  	_ =	shalt  }
0x76: {  	_ =	shalt  }
0x77: {  	_ =	shalt  }
0x78: {  	_ =	shalt  }
0x79: {  	_ =	shalt  }
0x7a: {  	_ =	shalt  }
0x7b: {  	_ =	shalt  }
0x7c: {  	_ =	shalt  }
0x7d: {  	_ =	shalt  }
0x7e: {  	_ =	shalt  }
0x7f: {  	_ =	shalt  }
0x80: {  	_ =	shalt  }
0x81: {  	_ =	shalt  }
0x82: {  	_ =	shalt  }
0x83: {  	_ =	shalt  }
0x84: {  	_ =	shalt  }
0x85: {  	_ =	shalt  }
0x86: {  	_ =	shalt  }
0x87: {  	_ =	shalt  }
.Lfunc_end0:
.L_simem_size_0:
called_computation_lowered:
.L_overlay_start_0:
0x88: {  	s2 =	sld [smem:$0x3FD9]  }
0x89: {  	s3 =	sld [smem:$0x3FFE];
	_ =	sdelay $0x1  }
0x8a: {  	s1 =	srdreg.scid  }
0x8b: {  	s0 =	sand.u32 $0x1, s1  }
0x8c: {  	s17 =	sshll.u32 s0, $0xA;
	s2 =	sadd.s32 s3, s2  }
0x8d: {  	s2 =	sadd.s32 s2, s17  }
0x8e: {  	[smem:$0x3FB2] =	sst s2  }
0x8f: {  	_ = 	snop  }
0x90: {  	s2 =	sld [smem:$0x3FD0];
	(tm) =	ssettm $0x1  }
0x91: {  	s18 =	sld [smem:$0x3FFB];
	_ =	sdelay $0x3  }
0x92: {  	_ =	strace s18  }
0x93: {  	s3 =	sld [smem:$0x3FFC];
	_ =	sdelay $0x3  }
0x94: {  	_ =	strace s3  }
0x95: {  	s3 =	sld [smem:$0x3FFD];
	_ =	sdelay $0x3  }
0x96: {  	_ =	strace s3  }
0x97: {  	_ =	strace $0x8FFFFFFF  }
0x98: {  	s19 =	sld [smem:$0x3FDB];
	_ =	sdelay $0x1  }
0x99: {  	s4 =	simm.s32 $_scs_section_size  }
0x9a: {  	s5 =	simm.s32 $_size__tile_overlayer_lowered;
	s6 =	simm.s32 $_tile_overlayer_lowered  }
0x9b: {  	s22 =	simm.s32 $0x1BFF;
	s21 =	sshll.u32 s6, $0x1;
	s3 =	sadd.s32 s4, s19  }
0x9c: {  	s7 =	simm.s32 $0x0;
	s20 =	sshll.u32 s5, $0x1;
	s5 =	sadd.s32 s21, s3  }
0x9d: {  	[timem:s7], [sflag:s22] =	dma.local [hbm:s5], s20  }
0x9e: {  	_ =	swait.ge [sflag:s22], s20  }
0x9f: {  	s4 =	ssub.s32 $0x0, s20;
	[sflag:s22] =	ssyncset.done $0x0  }
0xa0: {  	[sflag:s22] =	ssyncadd.s32 s4;
	_ =	sdelay $0x1  }
0xa1: {  	s23 =	simm.s32 $0x1B8B  }
0xa2: {  	_ =	swait.ge [sflag:s23], $0x1  }
0xa3: {  	[sflag:s23] =	ssyncset.done $0x0  }
0xa4: {  	s25 =	simm.s32 $0x1B8E;
	s24 =	sld [smem:$0x3FFE];
	[sflag:s23] =	ssyncadd.s32 $0xFFFFFFFF  }
0xa5: {  	s26 =	simm.s32 $execute0_lowered;
	[smem:$0x3FD2] =	sst s25  }
0xa6: {  	s5 =	sshll.u32 s26, $0x1;
	_ =	strace $0x80000046;
	[dreg:$0x1] =	wrdreg $0xFFFFFFFF  }
0xa7: {  	s28 =	simm.s32 $_size_execute0_lowered;
	s3 =	sadd.s32 s3, s5;
	[dreg:$0x0] =	wrdreg $0x0  }
0xa8: {  	s5 =	sshll.u32 s28, $0x1;
	[dreg:$0x2] =	wrdreg s3  }
0xa9: {  	[dreg:$0x3] =	wrdreg s5  }
0xaa: {  	[dreg:$0x4] =	wrdreg $0xC0  }
0xab: {  	_ =	task [dreg:s7], $0x5FFFF  }
0xac: {  	[dreg:$0x1] =	wrdreg $0xFFFFFFFF  }
0xad: {  	[dreg:$0x0] =	wrdreg $0x60  }
0xae: {  	[dreg:$0x2] =	wrdreg s24  }
0xaf: {  	[dreg:$0x3] =	wrdreg s2  }
0xb0: {  	[dreg:$0x4] =	wrdreg $0x9  }
0xb1: {  	_ =	task.clear_ibuf [dreg:s7], $0x5FFFF;
	_ =	strace $0x90000046  }
0xb2: {  	s29 =	simm.s32 $0x9;
	_ =	strace $0x80000048  }
0xb3: {  	_ =	swait.ge [sflag:s29], $0x1  }
0xb4: {  	[sflag:s29] =	ssyncadd.s32 $0xFFFFFFFF  }
0xb5: {  	_ =	strace $0x90000048  }
0xb6: {  	_ =	sfence  }
0xb7: {  	s30 =	sld [smem:$0x0];
	_ =	sdelay $0x2  }
0xb8: {  	s31 =	sshll.u32 s1, $0xD;
	s1 =	sshrl.u32 s1, $0x2  }
0xb9: {  	s3 =	sand.u32 $0x4000, s31;
	s1 =	sadd.s32 s1, s30  }
0xba: {  	s0 =	sor.u32 s3, s0;
	s1 =	sshll.u32 s1, $0x11  }
0xbb: {  	s0 =	sor.u32 s1, s0  }
0xbc: {  	s0 =	sadd.s32 $0x8F2B, s0  }
0xbd: {  	[sflag:s0] =	ssyncadd.remote.s32 $0x1  }
0xbe: {  	_ =	sfence.sel $0xFFFF  }
0xbf: {  	[dreg:$0x0] =	wrdreg $0xFFFFFFFF;
	(pc) =	sbr.abs _section_cstart, $3  }
0xc0: {  	[dreg:$0x1] =	wrdreg $0xFFFFFFFF  }
0xc1: {  	_ =	task.clear_ibuf [dreg:s7], $0x2FFFF;
	_ =	strace $0x9FFFFFFF  }
0xc2: {  	(tm) =	ssettm $0x7FFFFFFF  }
0xc3: {  	_ =	shalt  }
tec
execute0_lowered:
.L_overlay_start_1:
0x0: {  	(tag) =	ssettag $0x1  }
0x1: {  	s4 =	rddreg [dreg:$0x0];
	s1 =	srdreg.scid  }
0x2: {  	s0 =	stileid.u32;
	s5 =	rddreg [dreg:$0x1];
	s2 =	simm.s32 $0x0  }
0x3: {  	s11 =	simm.s32 $0x1;
	s3 =	sand.u32 $0x1, s1;
	s6 =	sshll.u32 s0, $0x1  }
0x4: {  	s12 =	simm.s32 $0x4A40;
	s13 =	simm.s32 $0x0;
	s6 =	sor.u32 s3, s6  }
0x5: {  	s1 =	rddreg [dreg:$0x2];
	s8 =	ssub.s32 $0x2, s3;
	s7 =	smul.u32 $0x48, s6  }
0x6: {  	[smem:$0x7FF] =	sst s2;
	s6 =	smul.u32 $0x480, s6;
	s9 =	sshrl.u32 s8, $0x1  }
0x7: {  	_ =	strace $0x80000047;
	s3 =	sadd.s32 $0x1C00, s4;
	s8 =	ssub.s32 s8, s9  }
0x8: {  	s9 =	simm.s32 $0x2640;
	s7 =	sadd.s32 s7, s4;
	s10 =	sadd.s32 s6, s4  }
0x9: {  	v0 =	vlaneseq.u32;
	s5 =	sadd.s32 s5, s6;
	s4 =	sadd.s32 $0x5C00, s7;
	s6 =	sadd.s32 $0x6600, s10  }
0xa: {  	v0 =	vmul.u32 $0x90, v0;
	s7 =	smax.u32 s8, $0x1;
	s8 =	simm.s32 $0x2;
	s10 =	simm.s32 $0x240  }
.LBB2_1:
0xb: {  	[tilespmem:s2], [sflag:$0x2] =	stream.linear.gather [hbm4b:s4+s2], $0x240, $0x38;
	[tilespmem:$0x6E40] =	vst v63  }
0xc: {  	_ =	swait.ge [sflag:s8], $0x240  }
0xd: {  	[sflag:s8] =	ssyncset.done $0x0  }
0xe: {  	[sflag:s8] =	ssyncadd.s32 $0xFFFFFDC0  }
0xf: {  	[tilespmem:s9], [sflag:$0x2] =	stream.linear.gather [hbm4b:s5+s2], $0x2400, $0x38;
	[tilespmem:$0x6E40] =	vst v63  }
0x10: {  	_ =	swait.ge [sflag:s8], $0x2400  }
0x11: {  	[sflag:s8] =	ssyncset.done $0x0  }
0x12: {  	[sflag:s8] =	ssyncadd.s32 $0xFFFFDC00  }
0x13: {  	[tilespmem:s10], [sflag:$0x1] =	stream.indirect.gather [hbm4b:s3+s10], $0x10, s2, s10, $0xb8;
	[tilespmem:$0x6E40] =	vst v63  }
0x14: {  	_ =	swait.ge [sflag:s11], $0x2400  }
0x15: {  	[sflag:s11] =	ssyncset.done $0x0  }
0x16: {  	s14 =	simm.s32 $0x2680;
	[sflag:s11] =	ssyncadd.s32 $0xFFFFDC00  }
0x17: {  	s15 =	simm.s32 $0x280;
	s16 =	smulhi.u32 $0x38E38E39, s2;
	v1 =	vld [tilespmem:s14+$0x30]  }
0x18: {  	v2 =	vld [tilespmem:s15+$0x30]  }
0x19: {  	s16 =	sshrl.u32 s16, $0x5;
	v3 =	vld [tilespmem:s14+$0xFFFFFFC0]  }
0x1a: {  	s16 =	smul.u32 $0x870, s16;
	v4 =	vld [tilespmem:s15+$0xFFFFFFC0]  }
0x1b: {  	v13 =	vld [tilespmem:s14+$0xFFFFFFD0]  }
0x1c: {  	s16 =	sadd.s32 $0x0, s16;
	v10 =	vld [tilespmem:s15+$0xFFFFFFD0]  }
0x1d: {  	s17 =	sadd.s32 $0x7, s16;
	v6 =	vld [tilespmem:s14+$0xFFFFFFE0]  }
0x1e: {  	v14 =	vadd.s32 s17, v0;
	v15 =	vld [tilespmem:s15+$0xFFFFFFE0]  }
0x1f: {  	v16 =	vadd.s32 s16, v0;
	s29 =	sadd.s32 $0x1, s16;
	v8 =	vld [tilespmem:s14+$0xFFFFFFF0];
	v2 =	vsub.f32 v2, v1  }
0x20: {  	v7 =	vadd.s32 s29, v0;
	v11 =	vld [tilespmem:s15+$0xFFFFFFF0];
	v12 =	vsub.f32 v4, v3  }
0x21: {  	s18 =	sadd.s32 $0x2, s16;
	s30 =	sadd.s32 $0x3, s16;
	v9 =	vld [tilespmem:s14+$0x0];
	v18 =	vsub.f32 v10, v13;
	v1 =	vadd.f32 v2, v1  }
0x22: {  	s31 =	sadd.s32 $0x4, s16;
	v5 =	vadd.s32 s30, v0;
	v4 =	vadd.s32 s18, v0;
	v17 =	vadd.f32 v12, v3;
	v12 =	vld [tilespmem:s15+$0x0]  }
0x23: {  	s19 =	sadd.s32 $0x5, s16;
	s16 =	sadd.s32 $0x6, s16;
	v10 =	vld [tilespmem:s14+$0x10];
	v15 =	vsub.f32 v15, v6;
	v3 =	vadd.s32 s31, v0;
	[tilespmem:v14+s12+$0x0] =	vst.idx.msk $0xffff, v1;
	v14 =	vadd.f32 v18, v13  }
0x24: {  	v2 =	vadd.s32 s19, v0;
	v1 =	vadd.s32 s16, v0;
	[tilespmem:v16+s12+$0x0] =	vst.idx.msk $0xffff, v17;
	v13 =	vld [tilespmem:s15+$0x10];
	s16 =	simm.s32 $0x8  }
.LBB2_2:
0x25: {  	s17 =	smulhi.u32 $0x38E38E39, s16;
	p0 =	slt.u32 s16, $0x238;
	[tilespmem:v7+s12+$0x0] =	vst.idx.msk $0xffff, v14;
	v6 =	vadd.f32 v15, v6;
	v7 =	vsub.f32 v11, v8;
	v11 =	vld [tilespmem:s14+$0x20]  }
0x26: {  	s14 =	sadd.s32 $0x80, s14;
	v14 =	vld [tilespmem:s15+$0x20]  }
0x27: {  	s15 =	sadd.s32 $0x80, s15;
	s17 =	sshrl.u32 s17, $0x5;
	v15 =	vld [tilespmem:s14+$0x30];
	[tilespmem:v4+s12+$0x0] =	vst.idx.msk $0xffff, v6;
	v4 =	vadd.f32 v7, v8;
	v6 =	vsub.f32 v12, v9  }
0x28: {  	s17 =	smul.u32 $0x870, s17;
	v8 =	vld [tilespmem:s15+$0x30]  }
0x29: {  	v12 =	vld [tilespmem:s14+$0xFFFFFFC0];
	[tilespmem:v5+s12+$0x0] =	vst.idx.msk $0xffff, v4;
	v4 =	vadd.f32 v6, v9;
	v5 =	vsub.f32 v13, v10  }
0x2a: {  	v9 =	vld [tilespmem:s15+$0xFFFFFFC0];
	s17 =	sadd.s32 s17, s16  }
0x2b: {  	v13 =	vadd.s32 s17, v0;
	v16 =	vld [tilespmem:s14+$0xFFFFFFD0];
	s18 =	sadd.s32 $0x1, s17;
	s19 =	sadd.s32 $0x2, s17;
	s20 =	sadd.s32 $0x7, s17;
	[tilespmem:v3+s12+$0x0] =	vst.idx.msk $0xffff, v4;
	v3 =	vadd.f32 v5, v10;
	v10 =	vsub.f32 v14, v11  }
0x2c: {  	s21 =	sadd.s32 $0x5, s17;
	v14 =	vld [tilespmem:s15+$0xFFFFFFD0];
	v7 =	vadd.s32 s18, v0;
	v4 =	vadd.s32 s19, v0;
	s18 =	sadd.s32 $0x3, s17;
	s19 =	sadd.s32 $0x4, s17;
	v17 =	vadd.s32 s20, v0  }
0x2d: {  	s17 =	sadd.s32 $0x6, s17;
	v6 =	vld [tilespmem:s14+$0xFFFFFFE0];
	v5 =	vadd.s32 s18, v0;
	v18 =	vsub.f32 v8, v15;
	[tilespmem:v2+s12+$0x0] =	vst.idx.msk $0xffff, v3;
	v10 =	vadd.f32 v10, v11  }
0x2e: {  	v3 =	vadd.s32 s19, v0;
	v2 =	vadd.s32 s21, v0;
	v11 =	vadd.s32 s17, v0;
	v19 =	vld [tilespmem:s15+$0xFFFFFFE0]  }
0x2f: {  	v9 =	vsub.f32 v9, v12;
	v8 =	vld [tilespmem:s14+$0xFFFFFFF0];
	v15 =	vadd.f32 v18, v15;
	[tilespmem:v1+s12+$0x0] =	vst.idx.msk $0xffff, v10;
	v1 =	vmov v11  }
.Ltmp0:
0x30: {  	v11 =	vld [tilespmem:s15+$0xFFFFFFF0];
	(pc) =	sbr.rel @p0 .LBB2_2-.Ltmp0, $4  }
0x31: {  	v10 =	vadd.f32 v9, v12;
	v14 =	vsub.f32 v14, v16;
	v9 =	vld [tilespmem:s14+$0x0];
	[tilespmem:v17+s12+$0x0] =	vst.idx.msk $0xffff, v15  }
0x32: {  	v12 =	vld [tilespmem:s15+$0x0]  }
0x33: {  	[tilespmem:v13+s12+$0x0] =	vst.idx.msk $0xffff, v10;
	v14 =	vadd.f32 v14, v16;
	v15 =	vsub.f32 v19, v6;
	v10 =	vld [tilespmem:s14+$0x10]  }
0x34: {  	s16 =	sadd.s32 $0x8, s16;
	v13 =	vld [tilespmem:s15+$0x10]  }
0x35: {  	v16 =	vld [tilespmem:s14+$0x20]  }
0x36: {  	v17 =	vld [tilespmem:s15+$0x20];
	_ =	sdelay $0x1  }
0x37: {  	v11 =	vsub.f32 v11, v8  }
0x38: {  	v6 =	vadd.f32 v15, v6;
	v12 =	vsub.f32 v12, v9  }
0x39: {  	[tilespmem:v7+s12+$0x0] =	vst.idx.msk $0xffff, v14;
	v59 =	vadd.f32 v11, v8;
	v60 =	vsub.f32 v13, v10  }
0x3a: {  	[tilespmem:v4+s12+$0x0] =	vst.idx.msk $0xffff, v6;
	v61 =	vadd.f32 v12, v9;
	v62 =	vsub.f32 v17, v16  }
0x3b: {  	[tilespmem:v5+s12+$0x0] =	vst.idx.msk $0xffff, v59;
	v63 =	vadd.f32 v60, v10  }
0x3c: {  	s13 =	sadd.s32 $0x1, s13;
	[tilespmem:v3+s12+$0x0] =	vst.idx.msk $0xffff, v61;
	v3 =	vadd.f32 v62, v16  }
0x3d: {  	p0 =	sne.s32 s13, s7;
	[tilespmem:v2+s12+$0x0] =	vst.idx.msk $0xffff, v63  }
.Ltmp1:
0x3e: {  	[tilespmem:v1+s12+$0x0] =	vst.idx.msk $0xffff, v3;
	(pc) =	sbr.rel @p0 .LBB2_1-.Ltmp1, $4  }
0x3f: {  	[hbm4b:s6+s2] =	stream.linear.scatter [tilespmem:s12], [sflag:$0x2], $0x2400, $0x38;
	[tilespmem:$0x6E40] =	vst v63  }
0x40: {  	_ =	swait.ge [sflag:s8], $0x2400  }
0x41: {  	[sflag:s8] =	ssyncset.done $0x0  }
0x42: {  	[sflag:s8] =	ssyncadd.s32 $0xFFFFDC00  }
0x43: {  	_ =	sfence.sel $0x180000  }
0x44: {  	[bflag:$0x0] =	sbarrier.arrive $0xFFFF  }
0x45: {  	p0 =	sne.s32 s0, $0x0;
	_ =	strace $0x90000047  }
0x46: {  	s0 =	sadd.s32 @!p0 $0x100000, s1;
	[bflag:$0x2] =	sbarrier.arrive $0xFFFF  }
0x47: {  	[sflag:s0] =	ssyncadd.tile.s32 @!p0 $0x1;
	_ =	shalt  }
.Lfunc_end2:
_tile_overlayer_lowered:
.L_overlay_start_2:
0x48: {  	(tag) =	ssettag $0x2  }
0x49: {  	s0 =	rddreg [dreg:$0x0];
	s2 =	stileid.u32  }
0x4a: {  	s1 =	rddreg [dreg:$0x1];
	p0 =	sne.s32 s2, $0x0  }
0x4b: {  	s3 =	rddreg [dreg:$0x2];
	[bflag:$0x3] =	sbarrier.arrive $0xFFFF;
	s2 =	simm.s32 @!p0 $0x1C02  }
0x4c: {  	[timem:s3], [sflag:s2] =	dma.local @!p0 [hbm:s0], s1  }
0x4d: {  	s0 =	simm.s32 @!p0 $0x2  }
0x4e: {  	_ =	swait.ge @!p0 [sflag:s0], s1  }
0x4f: {  	s1 =	ssub.s32 @!p0 $0x0, s1;
	[sflag:s0] =	ssyncset.done @!p0 $0x0  }
0x50: {  	[sflag:s0] =	ssyncadd.s32 @!p0 s1  }
0x51: {  	[bflag:$0x3] =	sbarrier.arrive $0xFFFF  }
0x52: {  	_ =	shalt  }

</sc_bundles>
